<compile_context>
chip_gen: v7x
topology: tpu7x:2x2x1
jax: 0.10.2.dev20260603
libtpu: 0.0.44.dev20260713+nightly
codegen_flags: <defaults>
</compile_context>

<pallas_src>
import functools

import jax
import jax.numpy as jnp
from jax import lax
from jax.experimental import pallas as pl
from jax.experimental.pallas import tpu as pltpu
from jax.experimental.pallas import tpu_sc as plsc

VOCAB = 100000
EMBED = 128
BATCH = 4096
HIST = 50
B = BATCH * HIST

NC = 2
NS = 16
NW = NC * NS
B_PER_W = B // NW
CHUNK = 128
NCHUNK = B_PER_W // CHUNK
NBUF = 5
NGROUP = NCHUNK // NBUF

_mesh = plsc.VectorSubcoreMesh(core_axis_name="c", subcore_axis_name="s")


@functools.partial(
    pl.kernel,
    out_type=jax.ShapeDtypeStruct((B, EMBED), jnp.float32),
    mesh=_mesh,
    scratch_types=[
        pltpu.VMEM((NCHUNK, CHUNK), jnp.int32),
        pltpu.VMEM((NBUF, CHUNK, EMBED), jnp.float32),
        pltpu.SemaphoreType.DMA,
        pltpu.SemaphoreType.DMA((NBUF,)),
        pltpu.SemaphoreType.DMA((NBUF,)),
    ],
)
def _sc_gather(idx_hbm, table_hbm, out_hbm, idx_v, rows_v, ssem, gsem, osem):
    wid = lax.axis_index("s") * NC + lax.axis_index("c")
    base = wid * B_PER_W
    pltpu.async_copy(idx_hbm.at[wid], idx_v, ssem).wait()

    def fire_gather(c, b):
        pltpu.async_copy(table_hbm.at[idx_v.at[c]], rows_v.at[b], gsem.at[b])

    def wait_gather(c, b):
        pltpu.make_async_copy(
            table_hbm.at[idx_v.at[c]], rows_v.at[b], gsem.at[b]
        ).wait()

    def fire_write(c, b):
        pltpu.async_copy(
            rows_v.at[b], out_hbm.at[pl.ds(base + c * CHUNK, CHUNK)],
            osem.at[b],
        )

    def wait_write(c, b):
        pltpu.make_async_copy(
            rows_v.at[b], out_hbm.at[pl.ds(base + c * CHUNK, CHUNK)],
            osem.at[b],
        ).wait()

    for b in range(NBUF):
        fire_gather(b, b)

    wait_gather(0, 0)
    fire_write(0, 0)
    for b in range(1, NBUF):
        c = b
        wait_gather(c, b)
        fire_write(c, b)
        wait_write(c - 1, b - 1)
        fire_gather(c - 1 + NBUF, b - 1)

    @pl.loop(1, NGROUP - 1)
    def _group(g):
        c0 = g * NBUF
        for b in range(NBUF):
            c = c0 + b
            pb = (b - 1) % NBUF
            wait_gather(c, b)
            fire_write(c, b)
            wait_write(c - 1, pb)
            fire_gather(c - 1 + NBUF, pb)

    c0 = (NGROUP - 1) * NBUF
    for b in range(NBUF):
        c = c0 + b
        pb = (b - 1) % NBUF
        wait_gather(c, b)
        fire_write(c, b)
        wait_write(c - 1, pb)
        if c - 1 + NBUF < NCHUNK:
            fire_gather(c - 1 + NBUF, pb)
    wait_write(NCHUNK - 1, (NCHUNK - 1) % NBUF)


def kernel(x, table):
    idx = x.T.astype(jnp.int32).reshape(NW, NCHUNK, CHUNK)
    out = _sc_gather(idx, table)
    return out.reshape(HIST, BATCH, EMBED).swapaxes(0, 1)

# --- scband reference (transcript-rebuilt; emitter-appended) ---
"""Pipeline reference for scband-embedding-model-85847806312659 (READ-ONLY COPY).

The authoritative reference and input builder live on the scoring server;
editing this copy changes nothing except your own understanding.
"""

import jax, jax.numpy as jnp
import numpy as np

VOCAB = 100000
EMBED = 128
BATCH = 4096
HIST = 50

def setup_inputs(seed: int = 0) -> dict:
    key = jax.random.key(seed)
    k1, k2 = jax.random.split(key)
    x = jax.random.randint(k1, (BATCH, HIST), 0, VOCAB, dtype=jnp.int64)
    table = jax.random.normal(k2, (VOCAB, EMBED), dtype=jnp.float32)
    return {"x": x, "table": table}

def reference(x, table):
    # nn.Embedding forward: gather rows of the table by index
    return jnp.take(table, x, axis=0)

if __name__ == "__main__":
    import jax
    _d = setup_inputs()
    print(jax.jit(kernel)(*tuple(_d.values())))

</pallas_src>

<mosaic_0001>
#map = affine_map<(d0, d1) -> (0, 0, 0)>
#map1 = affine_map<(d0, d1) -> (0, 0)>
module attributes {stable_mosaic.version = 14 : i64} {
  func.func @_sc_gather(%arg0: i32, %arg1: i32, %arg2: memref<32x50x128xi32, #tpu.memory_space<hbm>>, %arg3: memref<100000x128xf32, #tpu.memory_space<hbm>>, %arg4: memref<204800x128xf32, #tpu.memory_space<hbm>>, %arg5: memref<50x128xi32, #tpu.memory_space<vmem>>, %arg6: memref<5x128x128xf32, #tpu.memory_space<vmem>>, %arg7: memref<!tpu.dma_semaphore, #tpu.memory_space<semaphore_mem>>, %arg8: memref<5x!tpu.dma_semaphore, #tpu.memory_space<semaphore_mem>>, %arg9: memref<5x!tpu.dma_semaphore, #tpu.memory_space<semaphore_mem>>) attributes {dimension_semantics = [#tpu.dimension_semantics<core_parallel>, #tpu.dimension_semantics<subcore_parallel>], iteration_bounds = array<i64: 2, 16>, scalar_prefetch = 0 : i64, scratch_operands = 5 : i64, tpu.core_type = #tpu.core_type<sc_vector_subcore>, window_params = [{transform_indices = #map}, {transform_indices = #map1}, {transform_indices = #map1}]} {
    %mul3A = arith.constant 2 : i32
    %mul3A_0 = arith.muli %arg1, %mul3A : i32
    %add3A = arith.addi %mul3A_0, %arg0 : i32
    %mul3A_1 = arith.constant 6400 : i32
    %mul3A_2 = arith.muli %add3A, %mul3A_1 : i32
    %dma_start3A = arith.constant 0 : i32
    %dma_start3A_3 = arith.constant 0 : i32
    %dma_start3A_4 = tpu.memref_slice %arg2[%add3A, %dma_start3A, %dma_start3A_3] : memref<32x50x128xi32, #tpu.memory_space<hbm>> -> memref<1x50x128xi32, #tpu.memory_space<hbm>>
    %dma_start3A_5 = tpu.memref_squeeze %dma_start3A_4 : memref<1x50x128xi32, #tpu.memory_space<hbm>> -> memref<50x128xi32, #tpu.memory_space<hbm>>
    %dma_start3A_6 = arith.constant 0 : i32
    %dma_start3A_7 = arith.constant 0 : i32
    %dma_start3A_8 = tpu.memref_slice %arg2[%add3A, %dma_start3A_6, %dma_start3A_7] : memref<32x50x128xi32, #tpu.memory_space<hbm>> -> memref<1x50x128xi32, #tpu.memory_space<hbm>>
    %dma_start3A_9 = tpu.memref_squeeze %dma_start3A_8 : memref<1x50x128xi32, #tpu.memory_space<hbm>> -> memref<50x128xi32, #tpu.memory_space<hbm>>
    tpu.enqueue_dma source(%dma_start3A_9 : memref<50x128xi32, #tpu.memory_space<hbm>>) target(%arg5 : memref<50x128xi32, #tpu.memory_space<vmem>>) target_semaphore(%arg7 : memref<!tpu.dma_semaphore, #tpu.memory_space<semaphore_mem>>)
    %dma_wait3A = arith.constant 0 : i32
    %dma_wait3A_10 = arith.constant 0 : i32
    %dma_wait3A_11 = tpu.memref_slice %arg2[%add3A, %dma_wait3A, %dma_wait3A_10] : memref<32x50x128xi32, #tpu.memory_space<hbm>> -> memref<1x50x128xi32, #tpu.memory_space<hbm>>
    %dma_wait3A_12 = tpu.memref_squeeze %dma_wait3A_11 : memref<1x50x128xi32, #tpu.memory_space<hbm>> -> memref<50x128xi32, #tpu.memory_space<hbm>>
    %dma_wait3A_13 = arith.constant 0 : i32
    %dma_wait3A_14 = arith.constant 0 : i32
    %dma_wait3A_15 = tpu.memref_slice %arg2[%add3A, %dma_wait3A_13, %dma_wait3A_14] : memref<32x50x128xi32, #tpu.memory_space<hbm>> -> memref<1x50x128xi32, #tpu.memory_space<hbm>>
    %dma_wait3A_16 = tpu.memref_squeeze %dma_wait3A_15 : memref<1x50x128xi32, #tpu.memory_space<hbm>> -> memref<50x128xi32, #tpu.memory_space<hbm>>
    tpu.wait_dma2 semaphore(%arg7 : memref<!tpu.dma_semaphore, #tpu.memory_space<semaphore_mem>>) src(%dma_wait3A_16 : memref<50x128xi32, #tpu.memory_space<hbm>>) dst(%arg5 : memref<50x128xi32, #tpu.memory_space<vmem>>)
    %dma_start3A_17 = arith.constant 0 : i32
    %dma_start3A_18 = arith.constant 0 : i32
    %dma_start3A_19 = arith.constant 0 : i32
    %dma_start3A_20 = arith.constant 0 : i32
    %dma_start3A_21 = arith.constant 0 : i32
    %dma_start3A_22 = tpu.memref_slice %arg6[%dma_start3A_18, %dma_start3A_20, %dma_start3A_21] : memref<5x128x128xf32, #tpu.memory_space<vmem>> -> memref<1x128x128xf32, #tpu.memory_space<vmem>>
    %dma_start3A_23 = tpu.memref_squeeze %dma_start3A_22 : memref<1x128x128xf32, #tpu.memory_space<vmem>> -> memref<128x128xf32, #tpu.memory_space<vmem>>
    %dma_start3A_24 = arith.constant 0 : i32
    %dma_start3A_25 = tpu.memref_slice %arg5[%dma_start3A_17, %dma_start3A_24] : memref<50x128xi32, #tpu.memory_space<vmem>> -> memref<1x128xi32, #tpu.memory_space<vmem>>
    %dma_start3A_26 = tpu.memref_squeeze %dma_start3A_25 : memref<1x128xi32, #tpu.memory_space<vmem>> -> memref<128xi32, #tpu.memory_space<vmem>>
    %dma_start3A_27 = arith.constant 0 : i32
    %dma_start3A_28 = arith.constant 0 : i32
    %dma_start3A_29 = tpu.memref_slice %arg3[%dma_start3A_27, %dma_start3A_28] : memref<100000x128xf32, #tpu.memory_space<hbm>> -> memref<100000x128xf32, #tpu.memory_space<hbm>>
    %dma_start3A_30 = tpu.memref_slice %arg8[%dma_start3A_19] : memref<5x!tpu.dma_semaphore, #tpu.memory_space<semaphore_mem>> -> memref<1x!tpu.dma_semaphore, #tpu.memory_space<semaphore_mem>>
    %dma_start3A_31 = tpu.memref_squeeze %dma_start3A_30 : memref<1x!tpu.dma_semaphore, #tpu.memory_space<semaphore_mem>> -> memref<!tpu.dma_semaphore, #tpu.memory_space<semaphore_mem>>
    tpu.enqueue_indirect_dma source(%dma_start3A_29 : memref<100000x128xf32, #tpu.memory_space<hbm>>) target(%dma_start3A_23 : memref<128x128xf32, #tpu.memory_space<vmem>>) offsets(%dma_start3A_26 : memref<128xi32, #tpu.memory_space<vmem>>) semaphore(%dma_start3A_31 : memref<!tpu.dma_semaphore, #tpu.memory_space<semaphore_mem>>)
    %dma_start3A_32 = arith.constant 1 : i32
    %dma_start3A_33 = arith.constant 1 : i32
    %dma_start3A_34 = arith.constant 1 : i32
    %dma_start3A_35 = arith.constant 0 : i32
    %dma_start3A_36 = arith.constant 0 : i32
    %dma_start3A_37 = tpu.memref_slice %arg6[%dma_start3A_33, %dma_start3A_35, %dma_start3A_36] : memref<5x128x128xf32, #tpu.memory_space<vmem>> -> memref<1x128x128xf32, #tpu.memory_space<vmem>>
    %dma_start3A_38 = tpu.memref_squeeze %dma_start3A_37 : memref<1x128x128xf32, #tpu.memory_space<vmem>> -> memref<128x128xf32, #tpu.memory_space<vmem>>
    %dma_start3A_39 = arith.constant 0 : i32
    %dma_start3A_40 = tpu.memref_slice %arg5[%dma_start3A_32, %dma_start3A_39] : memref<50x128xi32, #tpu.memory_space<vmem>> -> memref<1x128xi32, #tpu.memory_space<vmem>>
    %dma_start3A_41 = tpu.memref_squeeze %dma_start3A_40 : memref<1x128xi32, #tpu.memory_space<vmem>> -> memref<128xi32, #tpu.memory_space<vmem>>
    %dma_start3A_42 = arith.constant 0 : i32
    %dma_start3A_43 = arith.constant 0 : i32
    %dma_start3A_44 = tpu.memref_slice %arg3[%dma_start3A_42, %dma_start3A_43] : memref<100000x128xf32, #tpu.memory_space<hbm>> -> memref<100000x128xf32, #tpu.memory_space<hbm>>
    %dma_start3A_45 = tpu.memref_slice %arg8[%dma_start3A_34] : memref<5x!tpu.dma_semaphore, #tpu.memory_space<semaphore_mem>> -> memref<1x!tpu.dma_semaphore, #tpu.memory_space<semaphore_mem>>
    %dma_start3A_46 = tpu.memref_squeeze %dma_start3A_45 : memref<1x!tpu.dma_semaphore, #tpu.memory_space<semaphore_mem>> -> memref<!tpu.dma_semaphore, #tpu.memory_space<semaphore_mem>>
    tpu.enqueue_indirect_dma source(%dma_start3A_44 : memref<100000x128xf32, #tpu.memory_space<hbm>>) target(%dma_start3A_38 : memref<128x128xf32, #tpu.memory_space<vmem>>) offsets(%dma_start3A_41 : memref<128xi32, #tpu.memory_space<vmem>>) semaphore(%dma_start3A_46 : memref<!tpu.dma_semaphore, #tpu.memory_space<semaphore_mem>>)
    %dma_start3A_47 = arith.constant 2 : i32
    %dma_start3A_48 = arith.constant 2 : i32
    %dma_start3A_49 = arith.constant 2 : i32
    %dma_start3A_50 = arith.constant 0 : i32
    %dma_start3A_51 = arith.constant 0 : i32
    %dma_start3A_52 = tpu.memref_slice %arg6[%dma_start3A_48, %dma_start3A_50, %dma_start3A_51] : memref<5x128x128xf32, #tpu.memory_space<vmem>> -> memref<1x128x128xf32, #tpu.memory_space<vmem>>
    %dma_start3A_53 = tpu.memref_squeeze %dma_start3A_52 : memref<1x128x128xf32, #tpu.memory_space<vmem>> -> memref<128x128xf32, #tpu.memory_space<vmem>>
    %dma_start3A_54 = arith.constant 0 : i32
    %dma_start3A_55 = tpu.memref_slice %arg5[%dma_start3A_47, %dma_start3A_54] : memref<50x128xi32, #tpu.memory_space<vmem>> -> memref<1x128xi32, #tpu.memory_space<vmem>>
    %dma_start3A_56 = tpu.memref_squeeze %dma_start3A_55 : memref<1x128xi32, #tpu.memory_space<vmem>> -> memref<128xi32, #tpu.memory_space<vmem>>
    %dma_start3A_57 = arith.constant 0 : i32
    %dma_start3A_58 = arith.constant 0 : i32
    %dma_start3A_59 = tpu.memref_slice %arg3[%dma_start3A_57, %dma_start3A_58] : memref<100000x128xf32, #tpu.memory_space<hbm>> -> memref<100000x128xf32, #tpu.memory_space<hbm>>
    %dma_start3A_60 = tpu.memref_slice %arg8[%dma_start3A_49] : memref<5x!tpu.dma_semaphore, #tpu.memory_space<semaphore_mem>> -> memref<1x!tpu.dma_semaphore, #tpu.memory_space<semaphore_mem>>
    %dma_start3A_61 = tpu.memref_squeeze %dma_start3A_60 : memref<1x!tpu.dma_semaphore, #tpu.memory_space<semaphore_mem>> -> memref<!tpu.dma_semaphore, #tpu.memory_space<semaphore_mem>>
    tpu.enqueue_indirect_dma source(%dma_start3A_59 : memref<100000x128xf32, #tpu.memory_space<hbm>>) target(%dma_start3A_53 : memref<128x128xf32, #tpu.memory_space<vmem>>) offsets(%dma_start3A_56 : memref<128xi32, #tpu.memory_space<vmem>>) semaphore(%dma_start3A_61 : memref<!tpu.dma_semaphore, #tpu.memory_space<semaphore_mem>>)
    %dma_start3A_62 = arith.constant 3 : i32
    %dma_start3A_63 = arith.constant 3 : i32
    %dma_start3A_64 = arith.constant 3 : i32
    %dma_start3A_65 = arith.constant 0 : i32
    %dma_start3A_66 = arith.constant 0 : i32
    %dma_start3A_67 = tpu.memref_slice %arg6[%dma_start3A_63, %dma_start3A_65, %dma_start3A_66] : memref<5x128x128xf32, #tpu.memory_space<vmem>> -> memref<1x128x128xf32, #tpu.memory_space<vmem>>
    %dma_start3A_68 = tpu.memref_squeeze %dma_start3A_67 : memref<1x128x128xf32, #tpu.memory_space<vmem>> -> memref<128x128xf32, #tpu.memory_space<vmem>>
    %dma_start3A_69 = arith.constant 0 : i32
    %dma_start3A_70 = tpu.memref_slice %arg5[%dma_start3A_62, %dma_start3A_69] : memref<50x128xi32, #tpu.memory_space<vmem>> -> memref<1x128xi32, #tpu.memory_space<vmem>>
    %dma_start3A_71 = tpu.memref_squeeze %dma_start3A_70 : memref<1x128xi32, #tpu.memory_space<vmem>> -> memref<128xi32, #tpu.memory_space<vmem>>
    %dma_start3A_72 = arith.constant 0 : i32
    %dma_start3A_73 = arith.constant 0 : i32
    %dma_start3A_74 = tpu.memref_slice %arg3[%dma_start3A_72, %dma_start3A_73] : memref<100000x128xf32, #tpu.memory_space<hbm>> -> memref<100000x128xf32, #tpu.memory_space<hbm>>
    %dma_start3A_75 = tpu.memref_slice %arg8[%dma_start3A_64] : memref<5x!tpu.dma_semaphore, #tpu.memory_space<semaphore_mem>> -> memref<1x!tpu.dma_semaphore, #tpu.memory_space<semaphore_mem>>
    %dma_start3A_76 = tpu.memref_squeeze %dma_start3A_75 : memref<1x!tpu.dma_semaphore, #tpu.memory_space<semaphore_mem>> -> memref<!tpu.dma_semaphore, #tpu.memory_space<semaphore_mem>>
    tpu.enqueue_indirect_dma source(%dma_start3A_74 : memref<100000x128xf32, #tpu.memory_space<hbm>>) target(%dma_start3A_68 : memref<128x128xf32, #tpu.memory_space<vmem>>) offsets(%dma_start3A_71 : memref<128xi32, #tpu.memory_space<vmem>>) semaphore(%dma_start3A_76 : memref<!tpu.dma_semaphore, #tpu.memory_space<semaphore_mem>>)
    %dma_start3A_77 = arith.constant 4 : i32
    %dma_start3A_78 = arith.constant 4 : i32
    %dma_start3A_79 = arith.constant 4 : i32
    %dma_start3A_80 = arith.constant 0 : i32
    %dma_start3A_81 = arith.constant 0 : i32
    %dma_start3A_82 = tpu.memref_slice %arg6[%dma_start3A_78, %dma_start3A_80, %dma_start3A_81] : memref<5x128x128xf32, #tpu.memory_space<vmem>> -> memref<1x128x128xf32, #tpu.memory_space<vmem>>
    %dma_start3A_83 = tpu.memref_squeeze %dma_start3A_82 : memref<1x128x128xf32, #tpu.memory_space<vmem>> -> memref<128x128xf32, #tpu.memory_space<vmem>>
    %dma_start3A_84 = arith.constant 0 : i32
    %dma_start3A_85 = tpu.memref_slice %arg5[%dma_start3A_77, %dma_start3A_84] : memref<50x128xi32, #tpu.memory_space<vmem>> -> memref<1x128xi32, #tpu.memory_space<vmem>>
    %dma_start3A_86 = tpu.memref_squeeze %dma_start3A_85 : memref<1x128xi32, #tpu.memory_space<vmem>> -> memref<128xi32, #tpu.memory_space<vmem>>
    %dma_start3A_87 = arith.constant 0 : i32
    %dma_start3A_88 = arith.constant 0 : i32
    %dma_start3A_89 = tpu.memref_slice %arg3[%dma_start3A_87, %dma_start3A_88] : memref<100000x128xf32, #tpu.memory_space<hbm>> -> memref<100000x128xf32, #tpu.memory_space<hbm>>
    %dma_start3A_90 = tpu.memref_slice %arg8[%dma_start3A_79] : memref<5x!tpu.dma_semaphore, #tpu.memory_space<semaphore_mem>> -> memref<1x!tpu.dma_semaphore, #tpu.memory_space<semaphore_mem>>
    %dma_start3A_91 = tpu.memref_squeeze %dma_start3A_90 : memref<1x!tpu.dma_semaphore, #tpu.memory_space<semaphore_mem>> -> memref<!tpu.dma_semaphore, #tpu.memory_space<semaphore_mem>>
    tpu.enqueue_indirect_dma source(%dma_start3A_89 : memref<100000x128xf32, #tpu.memory_space<hbm>>) target(%dma_start3A_83 : memref<128x128xf32, #tpu.memory_space<vmem>>) offsets(%dma_start3A_86 : memref<128xi32, #tpu.memory_space<vmem>>) semaphore(%dma_start3A_91 : memref<!tpu.dma_semaphore, #tpu.memory_space<semaphore_mem>>)
    %dma_wait3A_92 = arith.constant 0 : i32
    %dma_wait3A_93 = arith.constant 0 : i32
    %dma_wait3A_94 = arith.constant 0 : i32
    %dma_wait3A_95 = arith.constant 0 : i32
    %dma_wait3A_96 = arith.constant 0 : i32
    %dma_wait3A_97 = tpu.memref_slice %arg6[%dma_wait3A_93, %dma_wait3A_95, %dma_wait3A_96] : memref<5x128x128xf32, #tpu.memory_space<vmem>> -> memref<1x128x128xf32, #tpu.memory_space<vmem>>
    %dma_wait3A_98 = tpu.memref_squeeze %dma_wait3A_97 : memref<1x128x128xf32, #tpu.memory_space<vmem>> -> memref<128x128xf32, #tpu.memory_space<vmem>>
    %dma_wait3A_99 = arith.constant 0 : i32
    %dma_wait3A_100 = tpu.memref_slice %arg5[%dma_wait3A_92, %dma_wait3A_99] : memref<50x128xi32, #tpu.memory_space<vmem>> -> memref<1x128xi32, #tpu.memory_space<vmem>>
    %dma_wait3A_101 = tpu.memref_squeeze %dma_wait3A_100 : memref<1x128xi32, #tpu.memory_space<vmem>> -> memref<128xi32, #tpu.memory_space<vmem>>
    %dma_wait3A_102 = arith.constant 0 : i32
    %dma_wait3A_103 = arith.constant 0 : i32
    %dma_wait3A_104 = tpu.memref_slice %arg3[%dma_wait3A_102, %dma_wait3A_103] : memref<100000x128xf32, #tpu.memory_space<hbm>> -> memref<100000x128xf32, #tpu.memory_space<hbm>>
    %dma_wait3A_105 = tpu.memref_slice %arg8[%dma_wait3A_94] : memref<5x!tpu.dma_semaphore, #tpu.memory_space<semaphore_mem>> -> memref<1x!tpu.dma_semaphore, #tpu.memory_space<semaphore_mem>>
    %dma_wait3A_106 = tpu.memref_squeeze %dma_wait3A_105 : memref<1x!tpu.dma_semaphore, #tpu.memory_space<semaphore_mem>> -> memref<!tpu.dma_semaphore, #tpu.memory_space<semaphore_mem>>
    tpu.wait_indirect_dma semaphore(%dma_wait3A_106 : memref<!tpu.dma_semaphore, #tpu.memory_space<semaphore_mem>>) src(%dma_wait3A_104 : memref<100000x128xf32, #tpu.memory_space<hbm>>) dst(%dma_wait3A_98 : memref<128x128xf32, #tpu.memory_space<vmem>>)
    %add3A_107 = arith.constant 0 : i32
    %add3A_108 = arith.addi %mul3A_2, %add3A_107 : i32
    %dma_start3A_109 = arith.constant 0 : i32
    %dma_start3A_110 = arith.constant 0 : i32
    %dma_start3A_111 = arith.constant 0 : i32
    %dma_start3A_112 = arith.constant 0 : i32
    %dma_start3A_113 = tpu.memref_slice %arg6[%dma_start3A_109, %dma_start3A_111, %dma_start3A_112] : memref<5x128x128xf32, #tpu.memory_space<vmem>> -> memref<1x128x128xf32, #tpu.memory_space<vmem>>
    %dma_start3A_114 = tpu.memref_squeeze %dma_start3A_113 : memref<1x128x128xf32, #tpu.memory_space<vmem>> -> memref<128x128xf32, #tpu.memory_space<vmem>>
    %dma_start3A_115 = arith.constant 0 : i32
    %dma_start3A_116 = tpu.memref_slice %arg4[%add3A_108, %dma_start3A_115] : memref<204800x128xf32, #tpu.memory_space<hbm>> -> memref<128x128xf32, #tpu.memory_space<hbm>>
    %dma_start3A_117 = tpu.memref_slice %arg9[%dma_start3A_110] : memref<5x!tpu.dma_semaphore, #tpu.memory_space<semaphore_mem>> -> memref<1x!tpu.dma_semaphore, #tpu.memory_space<semaphore_mem>>
    %dma_start3A_118 = tpu.memref_squeeze %dma_start3A_117 : memref<1x!tpu.dma_semaphore, #tpu.memory_space<semaphore_mem>> -> memref<!tpu.dma_semaphore, #tpu.memory_space<semaphore_mem>>
    %dma_start3A_119 = arith.constant 0 : i32
    %dma_start3A_120 = tpu.memref_slice %arg4[%add3A_108, %dma_start3A_119] : memref<204800x128xf32, #tpu.memory_space<hbm>> -> memref<128x128xf32, #tpu.memory_space<hbm>>
    %dma_start3A_121 = arith.constant 0 : i32
    %dma_start3A_122 = arith.constant 0 : i32
    %dma_start3A_123 = tpu.memref_slice %arg6[%dma_start3A_109, %dma_start3A_121, %dma_start3A_122] : memref<5x128x128xf32, #tpu.memory_space<vmem>> -> memref<1x128x128xf32, #tpu.memory_space<vmem>>
    %dma_start3A_124 = tpu.memref_squeeze %dma_start3A_123 : memref<1x128x128xf32, #tpu.memory_space<vmem>> -> memref<128x128xf32, #tpu.memory_space<vmem>>
    tpu.enqueue_dma source(%dma_start3A_124 : memref<128x128xf32, #tpu.memory_space<vmem>>) target(%dma_start3A_120 : memref<128x128xf32, #tpu.memory_space<hbm>>) target_semaphore(%dma_start3A_118 : memref<!tpu.dma_semaphore, #tpu.memory_space<semaphore_mem>>)
    %dma_wait3A_125 = arith.constant 1 : i32
    %dma_wait3A_126 = arith.constant 1 : i32
    %dma_wait3A_127 = arith.constant 1 : i32
    %dma_wait3A_128 = arith.constant 0 : i32
    %dma_wait3A_129 = arith.constant 0 : i32
    %dma_wait3A_130 = tpu.memref_slice %arg6[%dma_wait3A_126, %dma_wait3A_128, %dma_wait3A_129] : memref<5x128x128xf32, #tpu.memory_space<vmem>> -> memref<1x128x128xf32, #tpu.memory_space<vmem>>
    %dma_wait3A_131 = tpu.memref_squeeze %dma_wait3A_130 : memref<1x128x128xf32, #tpu.memory_space<vmem>> -> memref<128x128xf32, #tpu.memory_space<vmem>>
    %dma_wait3A_132 = arith.constant 0 : i32
    %dma_wait3A_133 = tpu.memref_slice %arg5[%dma_wait3A_125, %dma_wait3A_132] : memref<50x128xi32, #tpu.memory_space<vmem>> -> memref<1x128xi32, #tpu.memory_space<vmem>>
    %dma_wait3A_134 = tpu.memref_squeeze %dma_wait3A_133 : memref<1x128xi32, #tpu.memory_space<vmem>> -> memref<128xi32, #tpu.memory_space<vmem>>
    %dma_wait3A_135 = arith.constant 0 : i32
    %dma_wait3A_136 = arith.constant 0 : i32
    %dma_wait3A_137 = tpu.memref_slice %arg3[%dma_wait3A_135, %dma_wait3A_136] : memref<100000x128xf32, #tpu.memory_space<hbm>> -> memref<100000x128xf32, #tpu.memory_space<hbm>>
    %dma_wait3A_138 = tpu.memref_slice %arg8[%dma_wait3A_127] : memref<5x!tpu.dma_semaphore, #tpu.memory_space<semaphore_mem>> -> memref<1x!tpu.dma_semaphore, #tpu.memory_space<semaphore_mem>>
    %dma_wait3A_139 = tpu.memref_squeeze %dma_wait3A_138 : memref<1x!tpu.dma_semaphore, #tpu.memory_space<semaphore_mem>> -> memref<!tpu.dma_semaphore, #tpu.memory_space<semaphore_mem>>
    tpu.wait_indirect_dma semaphore(%dma_wait3A_139 : memref<!tpu.dma_semaphore, #tpu.memory_space<semaphore_mem>>) src(%dma_wait3A_137 : memref<100000x128xf32, #tpu.memory_space<hbm>>) dst(%dma_wait3A_131 : memref<128x128xf32, #tpu.memory_space<vmem>>)
    %add3A_140 = arith.constant 128 : i32
    %add3A_141 = arith.addi %mul3A_2, %add3A_140 : i32
    %dma_start3A_142 = arith.constant 1 : i32
    %dma_start3A_143 = arith.constant 1 : i32
    %dma_start3A_144 = arith.constant 0 : i32
    %dma_start3A_145 = arith.constant 0 : i32
    %dma_start3A_146 = tpu.memref_slice %arg6[%dma_start3A_142, %dma_start3A_144, %dma_start3A_145] : memref<5x128x128xf32, #tpu.memory_space<vmem>> -> memref<1x128x128xf32, #tpu.memory_space<vmem>>
    %dma_start3A_147 = tpu.memref_squeeze %dma_start3A_146 : memref<1x128x128xf32, #tpu.memory_space<vmem>> -> memref<128x128xf32, #tpu.memory_space<vmem>>
    %dma_start3A_148 = arith.constant 0 : i32
    %dma_start3A_149 = tpu.memref_slice %arg4[%add3A_141, %dma_start3A_148] : memref<204800x128xf32, #tpu.memory_space<hbm>> -> memref<128x128xf32, #tpu.memory_space<hbm>>
    %dma_start3A_150 = tpu.memref_slice %arg9[%dma_start3A_143] : memref<5x!tpu.dma_semaphore, #tpu.memory_space<semaphore_mem>> -> memref<1x!tpu.dma_semaphore, #tpu.memory_space<semaphore_mem>>
    %dma_start3A_151 = tpu.memref_squeeze %dma_start3A_150 : memref<1x!tpu.dma_semaphore, #tpu.memory_space<semaphore_mem>> -> memref<!tpu.dma_semaphore, #tpu.memory_space<semaphore_mem>>
    %dma_start3A_152 = arith.constant 0 : i32
    %dma_start3A_153 = tpu.memref_slice %arg4[%add3A_141, %dma_start3A_152] : memref<204800x128xf32, #tpu.memory_space<hbm>> -> memref<128x128xf32, #tpu.memory_space<hbm>>
    %dma_start3A_154 = arith.constant 0 : i32
    %dma_start3A_155 = arith.constant 0 : i32
    %dma_start3A_156 = tpu.memref_slice %arg6[%dma_start3A_142, %dma_start3A_154, %dma_start3A_155] : memref<5x128x128xf32, #tpu.memory_space<vmem>> -> memref<1x128x128xf32, #tpu.memory_space<vmem>>
    %dma_start3A_157 = tpu.memref_squeeze %dma_start3A_156 : memref<1x128x128xf32, #tpu.memory_space<vmem>> -> memref<128x128xf32, #tpu.memory_space<vmem>>
    tpu.enqueue_dma source(%dma_start3A_157 : memref<128x128xf32, #tpu.memory_space<vmem>>) target(%dma_start3A_153 : memref<128x128xf32, #tpu.memory_space<hbm>>) target_semaphore(%dma_start3A_151 : memref<!tpu.dma_semaphore, #tpu.memory_space<semaphore_mem>>)
    %add3A_158 = arith.constant 0 : i32
    %add3A_159 = arith.addi %mul3A_2, %add3A_158 : i32
    %dma_wait3A_160 = arith.constant 0 : i32
    %dma_wait3A_161 = arith.constant 0 : i32
    %dma_wait3A_162 = arith.constant 0 : i32
    %dma_wait3A_163 = arith.constant 0 : i32
    %dma_wait3A_164 = tpu.memref_slice %arg6[%dma_wait3A_160, %dma_wait3A_162, %dma_wait3A_163] : memref<5x128x128xf32, #tpu.memory_space<vmem>> -> memref<1x128x128xf32, #tpu.memory_space<vmem>>
    %dma_wait3A_165 = tpu.memref_squeeze %dma_wait3A_164 : memref<1x128x128xf32, #tpu.memory_space<vmem>> -> memref<128x128xf32, #tpu.memory_space<vmem>>
    %dma_wait3A_166 = arith.constant 0 : i32
    %dma_wait3A_167 = tpu.memref_slice %arg4[%add3A_159, %dma_wait3A_166] : memref<204800x128xf32, #tpu.memory_space<hbm>> -> memref<128x128xf32, #tpu.memory_space<hbm>>
    %dma_wait3A_168 = tpu.memref_slice %arg9[%dma_wait3A_161] : memref<5x!tpu.dma_semaphore, #tpu.memory_space<semaphore_mem>> -> memref<1x!tpu.dma_semaphore, #tpu.memory_space<semaphore_mem>>
    %dma_wait3A_169 = tpu.memref_squeeze %dma_wait3A_168 : memref<1x!tpu.dma_semaphore, #tpu.memory_space<semaphore_mem>> -> memref<!tpu.dma_semaphore, #tpu.memory_space<semaphore_mem>>
    %dma_wait3A_170 = arith.constant 0 : i32
    %dma_wait3A_171 = tpu.memref_slice %arg4[%add3A_159, %dma_wait3A_170] : memref<204800x128xf32, #tpu.memory_space<hbm>> -> memref<128x128xf32, #tpu.memory_space<hbm>>
    %dma_wait3A_172 = arith.constant 0 : i32
    %dma_wait3A_173 = arith.constant 0 : i32
    %dma_wait3A_174 = tpu.memref_slice %arg6[%dma_wait3A_160, %dma_wait3A_172, %dma_wait3A_173] : memref<5x128x128xf32, #tpu.memory_space<vmem>> -> memref<1x128x128xf32, #tpu.memory_space<vmem>>
    %dma_wait3A_175 = tpu.memref_squeeze %dma_wait3A_174 : memref<1x128x128xf32, #tpu.memory_space<vmem>> -> memref<128x128xf32, #tpu.memory_space<vmem>>
    tpu.wait_dma2 semaphore(%dma_wait3A_169 : memref<!tpu.dma_semaphore, #tpu.memory_space<semaphore_mem>>) src(%dma_wait3A_175 : memref<128x128xf32, #tpu.memory_space<vmem>>) dst(%dma_wait3A_171 : memref<128x128xf32, #tpu.memory_space<hbm>>)
    %dma_start3A_176 = arith.constant 5 : i32
    %dma_start3A_177 = arith.constant 0 : i32
    %dma_start3A_178 = arith.constant 0 : i32
    %dma_start3A_179 = arith.constant 0 : i32
    %dma_start3A_180 = arith.constant 0 : i32
    %dma_start3A_181 = tpu.memref_slice %arg6[%dma_start3A_177, %dma_start3A_179, %dma_start3A_180] : memref<5x128x128xf32, #tpu.memory_space<vmem>> -> memref<1x128x128xf32, #tpu.memory_space<vmem>>
    %dma_start3A_182 = tpu.memref_squeeze %dma_start3A_181 : memref<1x128x128xf32, #tpu.memory_space<vmem>> -> memref<128x128xf32, #tpu.memory_space<vmem>>
    %dma_start3A_183 = arith.constant 0 : i32
    %dma_start3A_184 = tpu.memref_slice %arg5[%dma_start3A_176, %dma_start3A_183] : memref<50x128xi32, #tpu.memory_space<vmem>> -> memref<1x128xi32, #tpu.memory_space<vmem>>
    %dma_start3A_185 = tpu.memref_squeeze %dma_start3A_184 : memref<1x128xi32, #tpu.memory_space<vmem>> -> memref<128xi32, #tpu.memory_space<vmem>>
    %dma_start3A_186 = arith.constant 0 : i32
    %dma_start3A_187 = arith.constant 0 : i32
    %dma_start3A_188 = tpu.memref_slice %arg3[%dma_start3A_186, %dma_start3A_187] : memref<100000x128xf32, #tpu.memory_space<hbm>> -> memref<100000x128xf32, #tpu.memory_space<hbm>>
    %dma_start3A_189 = tpu.memref_slice %arg8[%dma_start3A_178] : memref<5x!tpu.dma_semaphore, #tpu.memory_space<semaphore_mem>> -> memref<1x!tpu.dma_semaphore, #tpu.memory_space<semaphore_mem>>
    %dma_start3A_190 = tpu.memref_squeeze %dma_start3A_189 : memref<1x!tpu.dma_semaphore, #tpu.memory_space<semaphore_mem>> -> memref<!tpu.dma_semaphore, #tpu.memory_space<semaphore_mem>>
    tpu.enqueue_indirect_dma source(%dma_start3A_188 : memref<100000x128xf32, #tpu.memory_space<hbm>>) target(%dma_start3A_182 : memref<128x128xf32, #tpu.memory_space<vmem>>) offsets(%dma_start3A_185 : memref<128xi32, #tpu.memory_space<vmem>>) semaphore(%dma_start3A_190 : memref<!tpu.dma_semaphore, #tpu.memory_space<semaphore_mem>>)
    %dma_wait3A_191 = arith.constant 2 : i32
    %dma_wait3A_192 = arith.constant 2 : i32
    %dma_wait3A_193 = arith.constant 2 : i32
    %dma_wait3A_194 = arith.constant 0 : i32
    %dma_wait3A_195 = arith.constant 0 : i32
    %dma_wait3A_196 = tpu.memref_slice %arg6[%dma_wait3A_192, %dma_wait3A_194, %dma_wait3A_195] : memref<5x128x128xf32, #tpu.memory_space<vmem>> -> memref<1x128x128xf32, #tpu.memory_space<vmem>>
    %dma_wait3A_197 = tpu.memref_squeeze %dma_wait3A_196 : memref<1x128x128xf32, #tpu.memory_space<vmem>> -> memref<128x128xf32, #tpu.memory_space<vmem>>
    %dma_wait3A_198 = arith.constant 0 : i32
    %dma_wait3A_199 = tpu.memref_slice %arg5[%dma_wait3A_191, %dma_wait3A_198] : memref<50x128xi32, #tpu.memory_space<vmem>> -> memref<1x128xi32, #tpu.memory_space<vmem>>
    %dma_wait3A_200 = tpu.memref_squeeze %dma_wait3A_199 : memref<1x128xi32, #tpu.memory_space<vmem>> -> memref<128xi32, #tpu.memory_space<vmem>>
    %dma_wait3A_201 = arith.constant 0 : i32
    %dma_wait3A_202 = arith.constant 0 : i32
    %dma_wait3A_203 = tpu.memref_slice %arg3[%dma_wait3A_201, %dma_wait3A_202] : memref<100000x128xf32, #tpu.memory_space<hbm>> -> memref<100000x128xf32, #tpu.memory_space<hbm>>
    %dma_wait3A_204 = tpu.memref_slice %arg8[%dma_wait3A_193] : memref<5x!tpu.dma_semaphore, #tpu.memory_space<semaphore_mem>> -> memref<1x!tpu.dma_semaphore, #tpu.memory_space<semaphore_mem>>
    %dma_wait3A_205 = tpu.memref_squeeze %dma_wait3A_204 : memref<1x!tpu.dma_semaphore, #tpu.memory_space<semaphore_mem>> -> memref<!tpu.dma_semaphore, #tpu.memory_space<semaphore_mem>>
    tpu.wait_indirect_dma semaphore(%dma_wait3A_205 : memref<!tpu.dma_semaphore, #tpu.memory_space<semaphore_mem>>) src(%dma_wait3A_203 : memref<100000x128xf32, #tpu.memory_space<hbm>>) dst(%dma_wait3A_197 : memref<128x128xf32, #tpu.memory_space<vmem>>)
    %add3A_206 = arith.constant 256 : i32
    %add3A_207 = arith.addi %mul3A_2, %add3A_206 : i32
    %dma_start3A_208 = arith.constant 2 : i32
    %dma_start3A_209 = arith.constant 2 : i32
    %dma_start3A_210 = arith.constant 0 : i32
    %dma_start3A_211 = arith.constant 0 : i32
    %dma_start3A_212 = tpu.memref_slice %arg6[%dma_start3A_208, %dma_start3A_210, %dma_start3A_211] : memref<5x128x128xf32, #tpu.memory_space<vmem>> -> memref<1x128x128xf32, #tpu.memory_space<vmem>>
    %dma_start3A_213 = tpu.memref_squeeze %dma_start3A_212 : memref<1x128x128xf32, #tpu.memory_space<vmem>> -> memref<128x128xf32, #tpu.memory_space<vmem>>
    %dma_start3A_214 = arith.constant 0 : i32
    %dma_start3A_215 = tpu.memref_slice %arg4[%add3A_207, %dma_start3A_214] : memref<204800x128xf32, #tpu.memory_space<hbm>> -> memref<128x128xf32, #tpu.memory_space<hbm>>
    %dma_start3A_216 = tpu.memref_slice %arg9[%dma_start3A_209] : memref<5x!tpu.dma_semaphore, #tpu.memory_space<semaphore_mem>> -> memref<1x!tpu.dma_semaphore, #tpu.memory_space<semaphore_mem>>
    %dma_start3A_217 = tpu.memref_squeeze %dma_start3A_216 : memref<1x!tpu.dma_semaphore, #tpu.memory_space<semaphore_mem>> -> memref<!tpu.dma_semaphore, #tpu.memory_space<semaphore_mem>>
    %dma_start3A_218 = arith.constant 0 : i32
    %dma_start3A_219 = tpu.memref_slice %arg4[%add3A_207, %dma_start3A_218] : memref<204800x128xf32, #tpu.memory_space<hbm>> -> memref<128x128xf32, #tpu.memory_space<hbm>>
    %dma_start3A_220 = arith.constant 0 : i32
    %dma_start3A_221 = arith.constant 0 : i32
    %dma_start3A_222 = tpu.memref_slice %arg6[%dma_start3A_208, %dma_start3A_220, %dma_start3A_221] : memref<5x128x128xf32, #tpu.memory_space<vmem>> -> memref<1x128x128xf32, #tpu.memory_space<vmem>>
    %dma_start3A_223 = tpu.memref_squeeze %dma_start3A_222 : memref<1x128x128xf32, #tpu.memory_space<vmem>> -> memref<128x128xf32, #tpu.memory_space<vmem>>
    tpu.enqueue_dma source(%dma_start3A_223 : memref<128x128xf32, #tpu.memory_space<vmem>>) target(%dma_start3A_219 : memref<128x128xf32, #tpu.memory_space<hbm>>) target_semaphore(%dma_start3A_217 : memref<!tpu.dma_semaphore, #tpu.memory_space<semaphore_mem>>)
    %add3A_224 = arith.constant 128 : i32
    %add3A_225 = arith.addi %mul3A_2, %add3A_224 : i32
    %dma_wait3A_226 = arith.constant 1 : i32
    %dma_wait3A_227 = arith.constant 1 : i32
    %dma_wait3A_228 = arith.constant 0 : i32
    %dma_wait3A_229 = arith.constant 0 : i32
    %dma_wait3A_230 = tpu.memref_slice %arg6[%dma_wait3A_226, %dma_wait3A_228, %dma_wait3A_229] : memref<5x128x128xf32, #tpu.memory_space<vmem>> -> memref<1x128x128xf32, #tpu.memory_space<vmem>>
    %dma_wait3A_231 = tpu.memref_squeeze %dma_wait3A_230 : memref<1x128x128xf32, #tpu.memory_space<vmem>> -> memref<128x128xf32, #tpu.memory_space<vmem>>
    %dma_wait3A_232 = arith.constant 0 : i32
    %dma_wait3A_233 = tpu.memref_slice %arg4[%add3A_225, %dma_wait3A_232] : memref<204800x128xf32, #tpu.memory_space<hbm>> -> memref<128x128xf32, #tpu.memory_space<hbm>>
    %dma_wait3A_234 = tpu.memref_slice %arg9[%dma_wait3A_227] : memref<5x!tpu.dma_semaphore, #tpu.memory_space<semaphore_mem>> -> memref<1x!tpu.dma_semaphore, #tpu.memory_space<semaphore_mem>>
    %dma_wait3A_235 = tpu.memref_squeeze %dma_wait3A_234 : memref<1x!tpu.dma_semaphore, #tpu.memory_space<semaphore_mem>> -> memref<!tpu.dma_semaphore, #tpu.memory_space<semaphore_mem>>
    %dma_wait3A_236 = arith.constant 0 : i32
    %dma_wait3A_237 = tpu.memref_slice %arg4[%add3A_225, %dma_wait3A_236] : memref<204800x128xf32, #tpu.memory_space<hbm>> -> memref<128x128xf32, #tpu.memory_space<hbm>>
    %dma_wait3A_238 = arith.constant 0 : i32
    %dma_wait3A_239 = arith.constant 0 : i32
    %dma_wait3A_240 = tpu.memref_slice %arg6[%dma_wait3A_226, %dma_wait3A_238, %dma_wait3A_239] : memref<5x128x128xf32, #tpu.memory_space<vmem>> -> memref<1x128x128xf32, #tpu.memory_space<vmem>>
    %dma_wait3A_241 = tpu.memref_squeeze %dma_wait3A_240 : memref<1x128x128xf32, #tpu.memory_space<vmem>> -> memref<128x128xf32, #tpu.memory_space<vmem>>
    tpu.wait_dma2 semaphore(%dma_wait3A_235 : memref<!tpu.dma_semaphore, #tpu.memory_space<semaphore_mem>>) src(%dma_wait3A_241 : memref<128x128xf32, #tpu.memory_space<vmem>>) dst(%dma_wait3A_237 : memref<128x128xf32, #tpu.memory_space<hbm>>)
    %dma_start3A_242 = arith.constant 6 : i32
    %dma_start3A_243 = arith.constant 1 : i32
    %dma_start3A_244 = arith.constant 1 : i32
    %dma_start3A_245 = arith.constant 0 : i32
    %dma_start3A_246 = arith.constant 0 : i32
    %dma_start3A_247 = tpu.memref_slice %arg6[%dma_start3A_243, %dma_start3A_245, %dma_start3A_246] : memref<5x128x128xf32, #tpu.memory_space<vmem>> -> memref<1x128x128xf32, #tpu.memory_space<vmem>>
    %dma_start3A_248 = tpu.memref_squeeze %dma_start3A_247 : memref<1x128x128xf32, #tpu.memory_space<vmem>> -> memref<128x128xf32, #tpu.memory_space<vmem>>
    %dma_start3A_249 = arith.constant 0 : i32
    %dma_start3A_250 = tpu.memref_slice %arg5[%dma_start3A_242, %dma_start3A_249] : memref<50x128xi32, #tpu.memory_space<vmem>> -> memref<1x128xi32, #tpu.memory_space<vmem>>
    %dma_start3A_251 = tpu.memref_squeeze %dma_start3A_250 : memref<1x128xi32, #tpu.memory_space<vmem>> -> memref<128xi32, #tpu.memory_space<vmem>>
    %dma_start3A_252 = arith.constant 0 : i32
    %dma_start3A_253 = arith.constant 0 : i32
    %dma_start3A_254 = tpu.memref_slice %arg3[%dma_start3A_252, %dma_start3A_253] : memref<100000x128xf32, #tpu.memory_space<hbm>> -> memref<100000x128xf32, #tpu.memory_space<hbm>>
    %dma_start3A_255 = tpu.memref_slice %arg8[%dma_start3A_244] : memref<5x!tpu.dma_semaphore, #tpu.memory_space<semaphore_mem>> -> memref<1x!tpu.dma_semaphore, #tpu.memory_space<semaphore_mem>>
    %dma_start3A_256 = tpu.memref_squeeze %dma_start3A_255 : memref<1x!tpu.dma_semaphore, #tpu.memory_space<semaphore_mem>> -> memref<!tpu.dma_semaphore, #tpu.memory_space<semaphore_mem>>
    tpu.enqueue_indirect_dma source(%dma_start3A_254 : memref<100000x128xf32, #tpu.memory_space<hbm>>) target(%dma_start3A_248 : memref<128x128xf32, #tpu.memory_space<vmem>>) offsets(%dma_start3A_251 : memref<128xi32, #tpu.memory_space<vmem>>) semaphore(%dma_start3A_256 : memref<!tpu.dma_semaphore, #tpu.memory_space<semaphore_mem>>)
    %dma_wait3A_257 = arith.constant 3 : i32
    %dma_wait3A_258 = arith.constant 3 : i32
    %dma_wait3A_259 = arith.constant 3 : i32
    %dma_wait3A_260 = arith.constant 0 : i32
    %dma_wait3A_261 = arith.constant 0 : i32
    %dma_wait3A_262 = tpu.memref_slice %arg6[%dma_wait3A_258, %dma_wait3A_260, %dma_wait3A_261] : memref<5x128x128xf32, #tpu.memory_space<vmem>> -> memref<1x128x128xf32, #tpu.memory_space<vmem>>
    %dma_wait3A_263 = tpu.memref_squeeze %dma_wait3A_262 : memref<1x128x128xf32, #tpu.memory_space<vmem>> -> memref<128x128xf32, #tpu.memory_space<vmem>>
    %dma_wait3A_264 = arith.constant 0 : i32
    %dma_wait3A_265 = tpu.memref_slice %arg5[%dma_wait3A_257, %dma_wait3A_264] : memref<50x128xi32, #tpu.memory_space<vmem>> -> memref<1x128xi32, #tpu.memory_space<vmem>>
    %dma_wait3A_266 = tpu.memref_squeeze %dma_wait3A_265 : memref<1x128xi32, #tpu.memory_space<vmem>> -> memref<128xi32, #tpu.memory_space<vmem>>
    %dma_wait3A_267 = arith.constant 0 : i32
    %dma_wait3A_268 = arith.constant 0 : i32
    %dma_wait3A_269 = tpu.memref_slice %arg3[%dma_wait3A_267, %dma_wait3A_268] : memref<100000x128xf32, #tpu.memory_space<hbm>> -> memref<100000x128xf32, #tpu.memory_space<hbm>>
    %dma_wait3A_270 = tpu.memref_slice %arg8[%dma_wait3A_259] : memref<5x!tpu.dma_semaphore, #tpu.memory_space<semaphore_mem>> -> memref<1x!tpu.dma_semaphore, #tpu.memory_space<semaphore_mem>>
    %dma_wait3A_271 = tpu.memref_squeeze %dma_wait3A_270 : memref<1x!tpu.dma_semaphore, #tpu.memory_space<semaphore_mem>> -> memref<!tpu.dma_semaphore, #tpu.memory_space<semaphore_mem>>
    tpu.wait_indirect_dma semaphore(%dma_wait3A_271 : memref<!tpu.dma_semaphore, #tpu.memory_space<semaphore_mem>>) src(%dma_wait3A_269 : memref<100000x128xf32, #tpu.memory_space<hbm>>) dst(%dma_wait3A_263 : memref<128x128xf32, #tpu.memory_space<vmem>>)
    %add3A_272 = arith.constant 384 : i32
    %add3A_273 = arith.addi %mul3A_2, %add3A_272 : i32
    %dma_start3A_274 = arith.constant 3 : i32
    %dma_start3A_275 = arith.constant 3 : i32
    %dma_start3A_276 = arith.constant 0 : i32
    %dma_start3A_277 = arith.constant 0 : i32
    %dma_start3A_278 = tpu.memref_slice %arg6[%dma_start3A_274, %dma_start3A_276, %dma_start3A_277] : memref<5x128x128xf32, #tpu.memory_space<vmem>> -> memref<1x128x128xf32, #tpu.memory_space<vmem>>
    %dma_start3A_279 = tpu.memref_squeeze %dma_start3A_278 : memref<1x128x128xf32, #tpu.memory_space<vmem>> -> memref<128x128xf32, #tpu.memory_space<vmem>>
    %dma_start3A_280 = arith.constant 0 : i32
    %dma_start3A_281 = tpu.memref_slice %arg4[%add3A_273, %dma_start3A_280] : memref<204800x128xf32, #tpu.memory_space<hbm>> -> memref<128x128xf32, #tpu.memory_space<hbm>>
    %dma_start3A_282 = tpu.memref_slice %arg9[%dma_start3A_275] : memref<5x!tpu.dma_semaphore, #tpu.memory_space<semaphore_mem>> -> memref<1x!tpu.dma_semaphore, #tpu.memory_space<semaphore_mem>>
    %dma_start3A_283 = tpu.memref_squeeze %dma_start3A_282 : memref<1x!tpu.dma_semaphore, #tpu.memory_space<semaphore_mem>> -> memref<!tpu.dma_semaphore, #tpu.memory_space<semaphore_mem>>
    %dma_start3A_284 = arith.constant 0 : i32
    %dma_start3A_285 = tpu.memref_slice %arg4[%add3A_273, %dma_start3A_284] : memref<204800x128xf32, #tpu.memory_space<hbm>> -> memref<128x128xf32, #tpu.memory_space<hbm>>
    %dma_start3A_286 = arith.constant 0 : i32
    %dma_start3A_287 = arith.constant 0 : i32
    %dma_start3A_288 = tpu.memref_slice %arg6[%dma_start3A_274, %dma_start3A_286, %dma_start3A_287] : memref<5x128x128xf32, #tpu.memory_space<vmem>> -> memref<1x128x128xf32, #tpu.memory_space<vmem>>
    %dma_start3A_289 = tpu.memref_squeeze %dma_start3A_288 : memref<1x128x128xf32, #tpu.memory_space<vmem>> -> memref<128x128xf32, #tpu.memory_space<vmem>>
    tpu.enqueue_dma source(%dma_start3A_289 : memref<128x128xf32, #tpu.memory_space<vmem>>) target(%dma_start3A_285 : memref<128x128xf32, #tpu.memory_space<hbm>>) target_semaphore(%dma_start3A_283 : memref<!tpu.dma_semaphore, #tpu.memory_space<semaphore_mem>>)
    %add3A_290 = arith.constant 256 : i32
    %add3A_291 = arith.addi %mul3A_2, %add3A_290 : i32
    %dma_wait3A_292 = arith.constant 2 : i32
    %dma_wait3A_293 = arith.constant 2 : i32
    %dma_wait3A_294 = arith.constant 0 : i32
    %dma_wait3A_295 = arith.constant 0 : i32
    %dma_wait3A_296 = tpu.memref_slice %arg6[%dma_wait3A_292, %dma_wait3A_294, %dma_wait3A_295] : memref<5x128x128xf32, #tpu.memory_space<vmem>> -> memref<1x128x128xf32, #tpu.memory_space<vmem>>
    %dma_wait3A_297 = tpu.memref_squeeze %dma_wait3A_296 : memref<1x128x128xf32, #tpu.memory_space<vmem>> -> memref<128x128xf32, #tpu.memory_space<vmem>>
    %dma_wait3A_298 = arith.constant 0 : i32
    %dma_wait3A_299 = tpu.memref_slice %arg4[%add3A_291, %dma_wait3A_298] : memref<204800x128xf32, #tpu.memory_space<hbm>> -> memref<128x128xf32, #tpu.memory_space<hbm>>
    %dma_wait3A_300 = tpu.memref_slice %arg9[%dma_wait3A_293] : memref<5x!tpu.dma_semaphore, #tpu.memory_space<semaphore_mem>> -> memref<1x!tpu.dma_semaphore, #tpu.memory_space<semaphore_mem>>
    %dma_wait3A_301 = tpu.memref_squeeze %dma_wait3A_300 : memref<1x!tpu.dma_semaphore, #tpu.memory_space<semaphore_mem>> -> memref<!tpu.dma_semaphore, #tpu.memory_space<semaphore_mem>>
    %dma_wait3A_302 = arith.constant 0 : i32
    %dma_wait3A_303 = tpu.memref_slice %arg4[%add3A_291, %dma_wait3A_302] : memref<204800x128xf32, #tpu.memory_space<hbm>> -> memref<128x128xf32, #tpu.memory_space<hbm>>
    %dma_wait3A_304 = arith.constant 0 : i32
    %dma_wait3A_305 = arith.constant 0 : i32
    %dma_wait3A_306 = tpu.memref_slice %arg6[%dma_wait3A_292, %dma_wait3A_304, %dma_wait3A_305] : memref<5x128x128xf32, #tpu.memory_space<vmem>> -> memref<1x128x128xf32, #tpu.memory_space<vmem>>
    %dma_wait3A_307 = tpu.memref_squeeze %dma_wait3A_306 : memref<1x128x128xf32, #tpu.memory_space<vmem>> -> memref<128x128xf32, #tpu.memory_space<vmem>>
    tpu.wait_dma2 semaphore(%dma_wait3A_301 : memref<!tpu.dma_semaphore, #tpu.memory_space<semaphore_mem>>) src(%dma_wait3A_307 : memref<128x128xf32, #tpu.memory_space<vmem>>) dst(%dma_wait3A_303 : memref<128x128xf32, #tpu.memory_space<hbm>>)
    %dma_start3A_308 = arith.constant 7 : i32
    %dma_start3A_309 = arith.constant 2 : i32
    %dma_start3A_310 = arith.constant 2 : i32
    %dma_start3A_311 = arith.constant 0 : i32
    %dma_start3A_312 = arith.constant 0 : i32
    %dma_start3A_313 = tpu.memref_slice %arg6[%dma_start3A_309, %dma_start3A_311, %dma_start3A_312] : memref<5x128x128xf32, #tpu.memory_space<vmem>> -> memref<1x128x128xf32, #tpu.memory_space<vmem>>
    %dma_start3A_314 = tpu.memref_squeeze %dma_start3A_313 : memref<1x128x128xf32, #tpu.memory_space<vmem>> -> memref<128x128xf32, #tpu.memory_space<vmem>>
    %dma_start3A_315 = arith.constant 0 : i32
    %dma_start3A_316 = tpu.memref_slice %arg5[%dma_start3A_308, %dma_start3A_315] : memref<50x128xi32, #tpu.memory_space<vmem>> -> memref<1x128xi32, #tpu.memory_space<vmem>>
    %dma_start3A_317 = tpu.memref_squeeze %dma_start3A_316 : memref<1x128xi32, #tpu.memory_space<vmem>> -> memref<128xi32, #tpu.memory_space<vmem>>
    %dma_start3A_318 = arith.constant 0 : i32
    %dma_start3A_319 = arith.constant 0 : i32
    %dma_start3A_320 = tpu.memref_slice %arg3[%dma_start3A_318, %dma_start3A_319] : memref<100000x128xf32, #tpu.memory_space<hbm>> -> memref<100000x128xf32, #tpu.memory_space<hbm>>
    %dma_start3A_321 = tpu.memref_slice %arg8[%dma_start3A_310] : memref<5x!tpu.dma_semaphore, #tpu.memory_space<semaphore_mem>> -> memref<1x!tpu.dma_semaphore, #tpu.memory_space<semaphore_mem>>
    %dma_start3A_322 = tpu.memref_squeeze %dma_start3A_321 : memref<1x!tpu.dma_semaphore, #tpu.memory_space<semaphore_mem>> -> memref<!tpu.dma_semaphore, #tpu.memory_space<semaphore_mem>>
    tpu.enqueue_indirect_dma source(%dma_start3A_320 : memref<100000x128xf32, #tpu.memory_space<hbm>>) target(%dma_start3A_314 : memref<128x128xf32, #tpu.memory_space<vmem>>) offsets(%dma_start3A_317 : memref<128xi32, #tpu.memory_space<vmem>>) semaphore(%dma_start3A_322 : memref<!tpu.dma_semaphore, #tpu.memory_space<semaphore_mem>>)
    %dma_wait3A_323 = arith.constant 4 : i32
    %dma_wait3A_324 = arith.constant 4 : i32
    %dma_wait3A_325 = arith.constant 4 : i32
    %dma_wait3A_326 = arith.constant 0 : i32
    %dma_wait3A_327 = arith.constant 0 : i32
    %dma_wait3A_328 = tpu.memref_slice %arg6[%dma_wait3A_324, %dma_wait3A_326, %dma_wait3A_327] : memref<5x128x128xf32, #tpu.memory_space<vmem>> -> memref<1x128x128xf32, #tpu.memory_space<vmem>>
    %dma_wait3A_329 = tpu.memref_squeeze %dma_wait3A_328 : memref<1x128x128xf32, #tpu.memory_space<vmem>> -> memref<128x128xf32, #tpu.memory_space<vmem>>
    %dma_wait3A_330 = arith.constant 0 : i32
    %dma_wait3A_331 = tpu.memref_slice %arg5[%dma_wait3A_323, %dma_wait3A_330] : memref<50x128xi32, #tpu.memory_space<vmem>> -> memref<1x128xi32, #tpu.memory_space<vmem>>
    %dma_wait3A_332 = tpu.memref_squeeze %dma_wait3A_331 : memref<1x128xi32, #tpu.memory_space<vmem>> -> memref<128xi32, #tpu.memory_space<vmem>>
    %dma_wait3A_333 = arith.constant 0 : i32
    %dma_wait3A_334 = arith.constant 0 : i32
    %dma_wait3A_335 = tpu.memref_slice %arg3[%dma_wait3A_333, %dma_wait3A_334] : memref<100000x128xf32, #tpu.memory_space<hbm>> -> memref<100000x128xf32, #tpu.memory_space<hbm>>
    %dma_wait3A_336 = tpu.memref_slice %arg8[%dma_wait3A_325] : memref<5x!tpu.dma_semaphore, #tpu.memory_space<semaphore_mem>> -> memref<1x!tpu.dma_semaphore, #tpu.memory_space<semaphore_mem>>
    %dma_wait3A_337 = tpu.memref_squeeze %dma_wait3A_336 : memref<1x!tpu.dma_semaphore, #tpu.memory_space<semaphore_mem>> -> memref<!tpu.dma_semaphore, #tpu.memory_space<semaphore_mem>>
    tpu.wait_indirect_dma semaphore(%dma_wait3A_337 : memref<!tpu.dma_semaphore, #tpu.memory_space<semaphore_mem>>) src(%dma_wait3A_335 : memref<100000x128xf32, #tpu.memory_space<hbm>>) dst(%dma_wait3A_329 : memref<128x128xf32, #tpu.memory_space<vmem>>)
    %add3A_338 = arith.constant 512 : i32
    %add3A_339 = arith.addi %mul3A_2, %add3A_338 : i32
    %dma_start3A_340 = arith.constant 4 : i32
    %dma_start3A_341 = arith.constant 4 : i32
    %dma_start3A_342 = arith.constant 0 : i32
    %dma_start3A_343 = arith.constant 0 : i32
    %dma_start3A_344 = tpu.memref_slice %arg6[%dma_start3A_340, %dma_start3A_342, %dma_start3A_343] : memref<5x128x128xf32, #tpu.memory_space<vmem>> -> memref<1x128x128xf32, #tpu.memory_space<vmem>>
    %dma_start3A_345 = tpu.memref_squeeze %dma_start3A_344 : memref<1x128x128xf32, #tpu.memory_space<vmem>> -> memref<128x128xf32, #tpu.memory_space<vmem>>
    %dma_start3A_346 = arith.constant 0 : i32
    %dma_start3A_347 = tpu.memref_slice %arg4[%add3A_339, %dma_start3A_346] : memref<204800x128xf32, #tpu.memory_space<hbm>> -> memref<128x128xf32, #tpu.memory_space<hbm>>
    %dma_start3A_348 = tpu.memref_slice %arg9[%dma_start3A_341] : memref<5x!tpu.dma_semaphore, #tpu.memory_space<semaphore_mem>> -> memref<1x!tpu.dma_semaphore, #tpu.memory_space<semaphore_mem>>
    %dma_start3A_349 = tpu.memref_squeeze %dma_start3A_348 : memref<1x!tpu.dma_semaphore, #tpu.memory_space<semaphore_mem>> -> memref<!tpu.dma_semaphore, #tpu.memory_space<semaphore_mem>>
    %dma_start3A_350 = arith.constant 0 : i32
    %dma_start3A_351 = tpu.memref_slice %arg4[%add3A_339, %dma_start3A_350] : memref<204800x128xf32, #tpu.memory_space<hbm>> -> memref<128x128xf32, #tpu.memory_space<hbm>>
    %dma_start3A_352 = arith.constant 0 : i32
    %dma_start3A_353 = arith.constant 0 : i32
    %dma_start3A_354 = tpu.memref_slice %arg6[%dma_start3A_340, %dma_start3A_352, %dma_start3A_353] : memref<5x128x128xf32, #tpu.memory_space<vmem>> -> memref<1x128x128xf32, #tpu.memory_space<vmem>>
    %dma_start3A_355 = tpu.memref_squeeze %dma_start3A_354 : memref<1x128x128xf32, #tpu.memory_space<vmem>> -> memref<128x128xf32, #tpu.memory_space<vmem>>
    tpu.enqueue_dma source(%dma_start3A_355 : memref<128x128xf32, #tpu.memory_space<vmem>>) target(%dma_start3A_351 : memref<128x128xf32, #tpu.memory_space<hbm>>) target_semaphore(%dma_start3A_349 : memref<!tpu.dma_semaphore, #tpu.memory_space<semaphore_mem>>)
    %add3A_356 = arith.constant 384 : i32
    %add3A_357 = arith.addi %mul3A_2, %add3A_356 : i32
    %dma_wait3A_358 = arith.constant 3 : i32
    %dma_wait3A_359 = arith.constant 3 : i32
    %dma_wait3A_360 = arith.constant 0 : i32
    %dma_wait3A_361 = arith.constant 0 : i32
    %dma_wait3A_362 = tpu.memref_slice %arg6[%dma_wait3A_358, %dma_wait3A_360, %dma_wait3A_361] : memref<5x128x128xf32, #tpu.memory_space<vmem>> -> memref<1x128x128xf32, #tpu.memory_space<vmem>>
    %dma_wait3A_363 = tpu.memref_squeeze %dma_wait3A_362 : memref<1x128x128xf32, #tpu.memory_space<vmem>> -> memref<128x128xf32, #tpu.memory_space<vmem>>
    %dma_wait3A_364 = arith.constant 0 : i32
    %dma_wait3A_365 = tpu.memref_slice %arg4[%add3A_357, %dma_wait3A_364] : memref<204800x128xf32, #tpu.memory_space<hbm>> -> memref<128x128xf32, #tpu.memory_space<hbm>>
    %dma_wait3A_366 = tpu.memref_slice %arg9[%dma_wait3A_359] : memref<5x!tpu.dma_semaphore, #tpu.memory_space<semaphore_mem>> -> memref<1x!tpu.dma_semaphore, #tpu.memory_space<semaphore_mem>>
    %dma_wait3A_367 = tpu.memref_squeeze %dma_wait3A_366 : memref<1x!tpu.dma_semaphore, #tpu.memory_space<semaphore_mem>> -> memref<!tpu.dma_semaphore, #tpu.memory_space<semaphore_mem>>
    %dma_wait3A_368 = arith.constant 0 : i32
    %dma_wait3A_369 = tpu.memref_slice %arg4[%add3A_357, %dma_wait3A_368] : memref<204800x128xf32, #tpu.memory_space<hbm>> -> memref<128x128xf32, #tpu.memory_space<hbm>>
    %dma_wait3A_370 = arith.constant 0 : i32
    %dma_wait3A_371 = arith.constant 0 : i32
    %dma_wait3A_372 = tpu.memref_slice %arg6[%dma_wait3A_358, %dma_wait3A_370, %dma_wait3A_371] : memref<5x128x128xf32, #tpu.memory_space<vmem>> -> memref<1x128x128xf32, #tpu.memory_space<vmem>>
    %dma_wait3A_373 = tpu.memref_squeeze %dma_wait3A_372 : memref<1x128x128xf32, #tpu.memory_space<vmem>> -> memref<128x128xf32, #tpu.memory_space<vmem>>
    tpu.wait_dma2 semaphore(%dma_wait3A_367 : memref<!tpu.dma_semaphore, #tpu.memory_space<semaphore_mem>>) src(%dma_wait3A_373 : memref<128x128xf32, #tpu.memory_space<vmem>>) dst(%dma_wait3A_369 : memref<128x128xf32, #tpu.memory_space<hbm>>)
    %dma_start3A_374 = arith.constant 8 : i32
    %dma_start3A_375 = arith.constant 3 : i32
    %dma_start3A_376 = arith.constant 3 : i32
    %dma_start3A_377 = arith.constant 0 : i32
    %dma_start3A_378 = arith.constant 0 : i32
    %dma_start3A_379 = tpu.memref_slice %arg6[%dma_start3A_375, %dma_start3A_377, %dma_start3A_378] : memref<5x128x128xf32, #tpu.memory_space<vmem>> -> memref<1x128x128xf32, #tpu.memory_space<vmem>>
    %dma_start3A_380 = tpu.memref_squeeze %dma_start3A_379 : memref<1x128x128xf32, #tpu.memory_space<vmem>> -> memref<128x128xf32, #tpu.memory_space<vmem>>
    %dma_start3A_381 = arith.constant 0 : i32
    %dma_start3A_382 = tpu.memref_slice %arg5[%dma_start3A_374, %dma_start3A_381] : memref<50x128xi32, #tpu.memory_space<vmem>> -> memref<1x128xi32, #tpu.memory_space<vmem>>
    %dma_start3A_383 = tpu.memref_squeeze %dma_start3A_382 : memref<1x128xi32, #tpu.memory_space<vmem>> -> memref<128xi32, #tpu.memory_space<vmem>>
    %dma_start3A_384 = arith.constant 0 : i32
    %dma_start3A_385 = arith.constant 0 : i32
    %dma_start3A_386 = tpu.memref_slice %arg3[%dma_start3A_384, %dma_start3A_385] : memref<100000x128xf32, #tpu.memory_space<hbm>> -> memref<100000x128xf32, #tpu.memory_space<hbm>>
    %dma_start3A_387 = tpu.memref_slice %arg8[%dma_start3A_376] : memref<5x!tpu.dma_semaphore, #tpu.memory_space<semaphore_mem>> -> memref<1x!tpu.dma_semaphore, #tpu.memory_space<semaphore_mem>>
    %dma_start3A_388 = tpu.memref_squeeze %dma_start3A_387 : memref<1x!tpu.dma_semaphore, #tpu.memory_space<semaphore_mem>> -> memref<!tpu.dma_semaphore, #tpu.memory_space<semaphore_mem>>
    tpu.enqueue_indirect_dma source(%dma_start3A_386 : memref<100000x128xf32, #tpu.memory_space<hbm>>) target(%dma_start3A_380 : memref<128x128xf32, #tpu.memory_space<vmem>>) offsets(%dma_start3A_383 : memref<128xi32, #tpu.memory_space<vmem>>) semaphore(%dma_start3A_388 : memref<!tpu.dma_semaphore, #tpu.memory_space<semaphore_mem>>)
    %scan3A = arith.constant 0 : i32
    %scan3A_389 = arith.constant 8 : i32
    %scan3A_390 = arith.addi %scan3A, %scan3A_389 : i32
    %scan3A_391 = arith.constant 1 : i32
    scf.for %scan3A_681 = %scan3A to %scan3A_390 step %scan3A_391  : i32 {
      %mul3A_682 = arith.constant 1 : i32
      %mul3A_683 = arith.muli %scan3A_681, %mul3A_682 : i32
      %add3A_684 = arith.constant 1 : i32
      %add3A_685 = arith.addi %add3A_684, %mul3A_683 : i32
      %mul3A_686 = arith.constant 5 : i32
      %mul3A_687 = arith.muli %add3A_685, %mul3A_686 : i32
      %add3A_688 = arith.constant 0 : i32
      %add3A_689 = arith.addi %mul3A_687, %add3A_688 : i32
      %dma_wait3A_690 = arith.constant 0 : i32
      %dma_wait3A_691 = arith.constant 0 : i32
      %dma_wait3A_692 = arith.constant 0 : i32
      %dma_wait3A_693 = arith.constant 0 : i32
      %dma_wait3A_694 = tpu.memref_slice %arg6[%dma_wait3A_690, %dma_wait3A_692, %dma_wait3A_693] : memref<5x128x128xf32, #tpu.memory_space<vmem>> -> memref<1x128x128xf32, #tpu.memory_space<vmem>>
      %dma_wait3A_695 = tpu.memref_squeeze %dma_wait3A_694 : memref<1x128x128xf32, #tpu.memory_space<vmem>> -> memref<128x128xf32, #tpu.memory_space<vmem>>
      %dma_wait3A_696 = arith.constant 0 : i32
      %dma_wait3A_697 = tpu.memref_slice %arg5[%add3A_689, %dma_wait3A_696] : memref<50x128xi32, #tpu.memory_space<vmem>> -> memref<1x128xi32, #tpu.memory_space<vmem>>
      %dma_wait3A_698 = tpu.memref_squeeze %dma_wait3A_697 : memref<1x128xi32, #tpu.memory_space<vmem>> -> memref<128xi32, #tpu.memory_space<vmem>>
      %dma_wait3A_699 = arith.constant 0 : i32
      %dma_wait3A_700 = arith.constant 0 : i32
      %dma_wait3A_701 = tpu.memref_slice %arg3[%dma_wait3A_699, %dma_wait3A_700] : memref<100000x128xf32, #tpu.memory_space<hbm>> -> memref<100000x128xf32, #tpu.memory_space<hbm>>
      %dma_wait3A_702 = tpu.memref_slice %arg8[%dma_wait3A_691] : memref<5x!tpu.dma_semaphore, #tpu.memory_space<semaphore_mem>> -> memref<1x!tpu.dma_semaphore, #tpu.memory_space<semaphore_mem>>
      %dma_wait3A_703 = tpu.memref_squeeze %dma_wait3A_702 : memref<1x!tpu.dma_semaphore, #tpu.memory_space<semaphore_mem>> -> memref<!tpu.dma_semaphore, #tpu.memory_space<semaphore_mem>>
      tpu.wait_indirect_dma semaphore(%dma_wait3A_703 : memref<!tpu.dma_semaphore, #tpu.memory_space<semaphore_mem>>) src(%dma_wait3A_701 : memref<100000x128xf32, #tpu.memory_space<hbm>>) dst(%dma_wait3A_695 : memref<128x128xf32, #tpu.memory_space<vmem>>)
      %mul3A_704 = arith.constant 128 : i32
      %mul3A_705 = arith.muli %add3A_689, %mul3A_704 : i32
      %add3A_706 = arith.addi %mul3A_2, %mul3A_705 : i32
      %dma_start3A_707 = arith.constant 0 : i32
      %dma_start3A_708 = arith.constant 0 : i32
      %dma_start3A_709 = arith.constant 0 : i32
      %dma_start3A_710 = arith.constant 0 : i32
      %dma_start3A_711 = tpu.memref_slice %arg6[%dma_start3A_707, %dma_start3A_709, %dma_start3A_710] : memref<5x128x128xf32, #tpu.memory_space<vmem>> -> memref<1x128x128xf32, #tpu.memory_space<vmem>>
      %dma_start3A_712 = tpu.memref_squeeze %dma_start3A_711 : memref<1x128x128xf32, #tpu.memory_space<vmem>> -> memref<128x128xf32, #tpu.memory_space<vmem>>
      %dma_start3A_713 = arith.constant 0 : i32
      %dma_start3A_714 = tpu.memref_slice %arg4[%add3A_706, %dma_start3A_713] : memref<204800x128xf32, #tpu.memory_space<hbm>> -> memref<128x128xf32, #tpu.memory_space<hbm>>
      %dma_start3A_715 = tpu.memref_slice %arg9[%dma_start3A_708] : memref<5x!tpu.dma_semaphore, #tpu.memory_space<semaphore_mem>> -> memref<1x!tpu.dma_semaphore, #tpu.memory_space<semaphore_mem>>
      %dma_start3A_716 = tpu.memref_squeeze %dma_start3A_715 : memref<1x!tpu.dma_semaphore, #tpu.memory_space<semaphore_mem>> -> memref<!tpu.dma_semaphore, #tpu.memory_space<semaphore_mem>>
      %dma_start3A_717 = arith.constant 0 : i32
      %dma_start3A_718 = tpu.memref_slice %arg4[%add3A_706, %dma_start3A_717] : memref<204800x128xf32, #tpu.memory_space<hbm>> -> memref<128x128xf32, #tpu.memory_space<hbm>>
      %dma_start3A_719 = arith.constant 0 : i32
      %dma_start3A_720 = arith.constant 0 : i32
      %dma_start3A_721 = tpu.memref_slice %arg6[%dma_start3A_707, %dma_start3A_719, %dma_start3A_720] : memref<5x128x128xf32, #tpu.memory_space<vmem>> -> memref<1x128x128xf32, #tpu.memory_space<vmem>>
      %dma_start3A_722 = tpu.memref_squeeze %dma_start3A_721 : memref<1x128x128xf32, #tpu.memory_space<vmem>> -> memref<128x128xf32, #tpu.memory_space<vmem>>
      tpu.enqueue_dma source(%dma_start3A_722 : memref<128x128xf32, #tpu.memory_space<vmem>>) target(%dma_start3A_718 : memref<128x128xf32, #tpu.memory_space<hbm>>) target_semaphore(%dma_start3A_716 : memref<!tpu.dma_semaphore, #tpu.memory_space<semaphore_mem>>)
      %sub3A = arith.constant 1 : i32
      %sub3A_723 = arith.subi %add3A_689, %sub3A : i32
      %mul3A_724 = arith.constant 128 : i32
      %mul3A_725 = arith.muli %sub3A_723, %mul3A_724 : i32
      %add3A_726 = arith.addi %mul3A_2, %mul3A_725 : i32
      %dma_wait3A_727 = arith.constant 4 : i32
      %dma_wait3A_728 = arith.constant 4 : i32
      %dma_wait3A_729 = arith.constant 0 : i32
      %dma_wait3A_730 = arith.constant 0 : i32
      %dma_wait3A_731 = tpu.memref_slice %arg6[%dma_wait3A_727, %dma_wait3A_729, %dma_wait3A_730] : memref<5x128x128xf32, #tpu.memory_space<vmem>> -> memref<1x128x128xf32, #tpu.memory_space<vmem>>
      %dma_wait3A_732 = tpu.memref_squeeze %dma_wait3A_731 : memref<1x128x128xf32, #tpu.memory_space<vmem>> -> memref<128x128xf32, #tpu.memory_space<vmem>>
      %dma_wait3A_733 = arith.constant 0 : i32
      %dma_wait3A_734 = tpu.memref_slice %arg4[%add3A_726, %dma_wait3A_733] : memref<204800x128xf32, #tpu.memory_space<hbm>> -> memref<128x128xf32, #tpu.memory_space<hbm>>
      %dma_wait3A_735 = tpu.memref_slice %arg9[%dma_wait3A_728] : memref<5x!tpu.dma_semaphore, #tpu.memory_space<semaphore_mem>> -> memref<1x!tpu.dma_semaphore, #tpu.memory_space<semaphore_mem>>
      %dma_wait3A_736 = tpu.memref_squeeze %dma_wait3A_735 : memref<1x!tpu.dma_semaphore, #tpu.memory_space<semaphore_mem>> -> memref<!tpu.dma_semaphore, #tpu.memory_space<semaphore_mem>>
      %dma_wait3A_737 = arith.constant 0 : i32
      %dma_wait3A_738 = tpu.memref_slice %arg4[%add3A_726, %dma_wait3A_737] : memref<204800x128xf32, #tpu.memory_space<hbm>> -> memref<128x128xf32, #tpu.memory_space<hbm>>
      %dma_wait3A_739 = arith.constant 0 : i32
      %dma_wait3A_740 = arith.constant 0 : i32
      %dma_wait3A_741 = tpu.memref_slice %arg6[%dma_wait3A_727, %dma_wait3A_739, %dma_wait3A_740] : memref<5x128x128xf32, #tpu.memory_space<vmem>> -> memref<1x128x128xf32, #tpu.memory_space<vmem>>
      %dma_wait3A_742 = tpu.memref_squeeze %dma_wait3A_741 : memref<1x128x128xf32, #tpu.memory_space<vmem>> -> memref<128x128xf32, #tpu.memory_space<vmem>>
      tpu.wait_dma2 semaphore(%dma_wait3A_736 : memref<!tpu.dma_semaphore, #tpu.memory_space<semaphore_mem>>) src(%dma_wait3A_742 : memref<128x128xf32, #tpu.memory_space<vmem>>) dst(%dma_wait3A_738 : memref<128x128xf32, #tpu.memory_space<hbm>>)
      %sub3A_743 = arith.constant 1 : i32
      %sub3A_744 = arith.subi %add3A_689, %sub3A_743 : i32
      %add3A_745 = arith.constant 5 : i32
      %add3A_746 = arith.addi %sub3A_744, %add3A_745 : i32
      %dma_start3A_747 = arith.constant 4 : i32
      %dma_start3A_748 = arith.constant 4 : i32
      %dma_start3A_749 = arith.constant 0 : i32
      %dma_start3A_750 = arith.constant 0 : i32
      %dma_start3A_751 = tpu.memref_slice %arg6[%dma_start3A_747, %dma_start3A_749, %dma_start3A_750] : memref<5x128x128xf32, #tpu.memory_space<vmem>> -> memref<1x128x128xf32, #tpu.memory_space<vmem>>
      %dma_start3A_752 = tpu.memref_squeeze %dma_start3A_751 : memref<1x128x128xf32, #tpu.memory_space<vmem>> -> memref<128x128xf32, #tpu.memory_space<vmem>>
      %dma_start3A_753 = arith.constant 0 : i32
      %dma_start3A_754 = tpu.memref_slice %arg5[%add3A_746, %dma_start3A_753] : memref<50x128xi32, #tpu.memory_space<vmem>> -> memref<1x128xi32, #tpu.memory_space<vmem>>
      %dma_start3A_755 = tpu.memref_squeeze %dma_start3A_754 : memref<1x128xi32, #tpu.memory_space<vmem>> -> memref<128xi32, #tpu.memory_space<vmem>>
      %dma_start3A_756 = arith.constant 0 : i32
      %dma_start3A_757 = arith.constant 0 : i32
      %dma_start3A_758 = tpu.memref_slice %arg3[%dma_start3A_756, %dma_start3A_757] : memref<100000x128xf32, #tpu.memory_space<hbm>> -> memref<100000x128xf32, #tpu.memory_space<hbm>>
      %dma_start3A_759 = tpu.memref_slice %arg8[%dma_start3A_748] : memref<5x!tpu.dma_semaphore, #tpu.memory_space<semaphore_mem>> -> memref<1x!tpu.dma_semaphore, #tpu.memory_space<semaphore_mem>>
      %dma_start3A_760 = tpu.memref_squeeze %dma_start3A_759 : memref<1x!tpu.dma_semaphore, #tpu.memory_space<semaphore_mem>> -> memref<!tpu.dma_semaphore, #tpu.memory_space<semaphore_mem>>
      tpu.enqueue_indirect_dma source(%dma_start3A_758 : memref<100000x128xf32, #tpu.memory_space<hbm>>) target(%dma_start3A_752 : memref<128x128xf32, #tpu.memory_space<vmem>>) offsets(%dma_start3A_755 : memref<128xi32, #tpu.memory_space<vmem>>) semaphore(%dma_start3A_760 : memref<!tpu.dma_semaphore, #tpu.memory_space<semaphore_mem>>)
      %add3A_761 = arith.constant 1 : i32
      %add3A_762 = arith.addi %mul3A_687, %add3A_761 : i32
      %dma_wait3A_763 = arith.constant 1 : i32
      %dma_wait3A_764 = arith.constant 1 : i32
      %dma_wait3A_765 = arith.constant 0 : i32
      %dma_wait3A_766 = arith.constant 0 : i32
      %dma_wait3A_767 = tpu.memref_slice %arg6[%dma_wait3A_763, %dma_wait3A_765, %dma_wait3A_766] : memref<5x128x128xf32, #tpu.memory_space<vmem>> -> memref<1x128x128xf32, #tpu.memory_space<vmem>>
      %dma_wait3A_768 = tpu.memref_squeeze %dma_wait3A_767 : memref<1x128x128xf32, #tpu.memory_space<vmem>> -> memref<128x128xf32, #tpu.memory_space<vmem>>
      %dma_wait3A_769 = arith.constant 0 : i32
      %dma_wait3A_770 = tpu.memref_slice %arg5[%add3A_762, %dma_wait3A_769] : memref<50x128xi32, #tpu.memory_space<vmem>> -> memref<1x128xi32, #tpu.memory_space<vmem>>
      %dma_wait3A_771 = tpu.memref_squeeze %dma_wait3A_770 : memref<1x128xi32, #tpu.memory_space<vmem>> -> memref<128xi32, #tpu.memory_space<vmem>>
      %dma_wait3A_772 = arith.constant 0 : i32
      %dma_wait3A_773 = arith.constant 0 : i32
      %dma_wait3A_774 = tpu.memref_slice %arg3[%dma_wait3A_772, %dma_wait3A_773] : memref<100000x128xf32, #tpu.memory_space<hbm>> -> memref<100000x128xf32, #tpu.memory_space<hbm>>
      %dma_wait3A_775 = tpu.memref_slice %arg8[%dma_wait3A_764] : memref<5x!tpu.dma_semaphore, #tpu.memory_space<semaphore_mem>> -> memref<1x!tpu.dma_semaphore, #tpu.memory_space<semaphore_mem>>
      %dma_wait3A_776 = tpu.memref_squeeze %dma_wait3A_775 : memref<1x!tpu.dma_semaphore, #tpu.memory_space<semaphore_mem>> -> memref<!tpu.dma_semaphore, #tpu.memory_space<semaphore_mem>>
      tpu.wait_indirect_dma semaphore(%dma_wait3A_776 : memref<!tpu.dma_semaphore, #tpu.memory_space<semaphore_mem>>) src(%dma_wait3A_774 : memref<100000x128xf32, #tpu.memory_space<hbm>>) dst(%dma_wait3A_768 : memref<128x128xf32, #tpu.memory_space<vmem>>)
      %mul3A_777 = arith.constant 128 : i32
      %mul3A_778 = arith.muli %add3A_762, %mul3A_777 : i32
      %add3A_779 = arith.addi %mul3A_2, %mul3A_778 : i32
      %dma_start3A_780 = arith.constant 1 : i32
      %dma_start3A_781 = arith.constant 1 : i32
      %dma_start3A_782 = arith.constant 0 : i32
      %dma_start3A_783 = arith.constant 0 : i32
      %dma_start3A_784 = tpu.memref_slice %arg6[%dma_start3A_780, %dma_start3A_782, %dma_start3A_783] : memref<5x128x128xf32, #tpu.memory_space<vmem>> -> memref<1x128x128xf32, #tpu.memory_space<vmem>>
      %dma_start3A_785 = tpu.memref_squeeze %dma_start3A_784 : memref<1x128x128xf32, #tpu.memory_space<vmem>> -> memref<128x128xf32, #tpu.memory_space<vmem>>
      %dma_start3A_786 = arith.constant 0 : i32
      %dma_start3A_787 = tpu.memref_slice %arg4[%add3A_779, %dma_start3A_786] : memref<204800x128xf32, #tpu.memory_space<hbm>> -> memref<128x128xf32, #tpu.memory_space<hbm>>
      %dma_start3A_788 = tpu.memref_slice %arg9[%dma_start3A_781] : memref<5x!tpu.dma_semaphore, #tpu.memory_space<semaphore_mem>> -> memref<1x!tpu.dma_semaphore, #tpu.memory_space<semaphore_mem>>
      %dma_start3A_789 = tpu.memref_squeeze %dma_start3A_788 : memref<1x!tpu.dma_semaphore, #tpu.memory_space<semaphore_mem>> -> memref<!tpu.dma_semaphore, #tpu.memory_space<semaphore_mem>>
      %dma_start3A_790 = arith.constant 0 : i32
      %dma_start3A_791 = tpu.memref_slice %arg4[%add3A_779, %dma_start3A_790] : memref<204800x128xf32, #tpu.memory_space<hbm>> -> memref<128x128xf32, #tpu.memory_space<hbm>>
      %dma_start3A_792 = arith.constant 0 : i32
      %dma_start3A_793 = arith.constant 0 : i32
      %dma_start3A_794 = tpu.memref_slice %arg6[%dma_start3A_780, %dma_start3A_792, %dma_start3A_793] : memref<5x128x128xf32, #tpu.memory_space<vmem>> -> memref<1x128x128xf32, #tpu.memory_space<vmem>>
      %dma_start3A_795 = tpu.memref_squeeze %dma_start3A_794 : memref<1x128x128xf32, #tpu.memory_space<vmem>> -> memref<128x128xf32, #tpu.memory_space<vmem>>
      tpu.enqueue_dma source(%dma_start3A_795 : memref<128x128xf32, #tpu.memory_space<vmem>>) target(%dma_start3A_791 : memref<128x128xf32, #tpu.memory_space<hbm>>) target_semaphore(%dma_start3A_789 : memref<!tpu.dma_semaphore, #tpu.memory_space<semaphore_mem>>)
      %sub3A_796 = arith.constant 1 : i32
      %sub3A_797 = arith.subi %add3A_762, %sub3A_796 : i32
      %mul3A_798 = arith.constant 128 : i32
      %mul3A_799 = arith.muli %sub3A_797, %mul3A_798 : i32
      %add3A_800 = arith.addi %mul3A_2, %mul3A_799 : i32
      %dma_wait3A_801 = arith.constant 0 : i32
      %dma_wait3A_802 = arith.constant 0 : i32
      %dma_wait3A_803 = arith.constant 0 : i32
      %dma_wait3A_804 = arith.constant 0 : i32
      %dma_wait3A_805 = tpu.memref_slice %arg6[%dma_wait3A_801, %dma_wait3A_803, %dma_wait3A_804] : memref<5x128x128xf32, #tpu.memory_space<vmem>> -> memref<1x128x128xf32, #tpu.memory_space<vmem>>
      %dma_wait3A_806 = tpu.memref_squeeze %dma_wait3A_805 : memref<1x128x128xf32, #tpu.memory_space<vmem>> -> memref<128x128xf32, #tpu.memory_space<vmem>>
      %dma_wait3A_807 = arith.constant 0 : i32
      %dma_wait3A_808 = tpu.memref_slice %arg4[%add3A_800, %dma_wait3A_807] : memref<204800x128xf32, #tpu.memory_space<hbm>> -> memref<128x128xf32, #tpu.memory_space<hbm>>
      %dma_wait3A_809 = tpu.memref_slice %arg9[%dma_wait3A_802] : memref<5x!tpu.dma_semaphore, #tpu.memory_space<semaphore_mem>> -> memref<1x!tpu.dma_semaphore, #tpu.memory_space<semaphore_mem>>
      %dma_wait3A_810 = tpu.memref_squeeze %dma_wait3A_809 : memref<1x!tpu.dma_semaphore, #tpu.memory_space<semaphore_mem>> -> memref<!tpu.dma_semaphore, #tpu.memory_space<semaphore_mem>>
      %dma_wait3A_811 = arith.constant 0 : i32
      %dma_wait3A_812 = tpu.memref_slice %arg4[%add3A_800, %dma_wait3A_811] : memref<204800x128xf32, #tpu.memory_space<hbm>> -> memref<128x128xf32, #tpu.memory_space<hbm>>
      %dma_wait3A_813 = arith.constant 0 : i32
      %dma_wait3A_814 = arith.constant 0 : i32
      %dma_wait3A_815 = tpu.memref_slice %arg6[%dma_wait3A_801, %dma_wait3A_813, %dma_wait3A_814] : memref<5x128x128xf32, #tpu.memory_space<vmem>> -> memref<1x128x128xf32, #tpu.memory_space<vmem>>
      %dma_wait3A_816 = tpu.memref_squeeze %dma_wait3A_815 : memref<1x128x128xf32, #tpu.memory_space<vmem>> -> memref<128x128xf32, #tpu.memory_space<vmem>>
      tpu.wait_dma2 semaphore(%dma_wait3A_810 : memref<!tpu.dma_semaphore, #tpu.memory_space<semaphore_mem>>) src(%dma_wait3A_816 : memref<128x128xf32, #tpu.memory_space<vmem>>) dst(%dma_wait3A_812 : memref<128x128xf32, #tpu.memory_space<hbm>>)
      %sub3A_817 = arith.constant 1 : i32
      %sub3A_818 = arith.subi %add3A_762, %sub3A_817 : i32
      %add3A_819 = arith.constant 5 : i32
      %add3A_820 = arith.addi %sub3A_818, %add3A_819 : i32
      %dma_start3A_821 = arith.constant 0 : i32
      %dma_start3A_822 = arith.constant 0 : i32
      %dma_start3A_823 = arith.constant 0 : i32
      %dma_start3A_824 = arith.constant 0 : i32
      %dma_start3A_825 = tpu.memref_slice %arg6[%dma_start3A_821, %dma_start3A_823, %dma_start3A_824] : memref<5x128x128xf32, #tpu.memory_space<vmem>> -> memref<1x128x128xf32, #tpu.memory_space<vmem>>
      %dma_start3A_826 = tpu.memref_squeeze %dma_start3A_825 : memref<1x128x128xf32, #tpu.memory_space<vmem>> -> memref<128x128xf32, #tpu.memory_space<vmem>>
      %dma_start3A_827 = arith.constant 0 : i32
      %dma_start3A_828 = tpu.memref_slice %arg5[%add3A_820, %dma_start3A_827] : memref<50x128xi32, #tpu.memory_space<vmem>> -> memref<1x128xi32, #tpu.memory_space<vmem>>
      %dma_start3A_829 = tpu.memref_squeeze %dma_start3A_828 : memref<1x128xi32, #tpu.memory_space<vmem>> -> memref<128xi32, #tpu.memory_space<vmem>>
      %dma_start3A_830 = arith.constant 0 : i32
      %dma_start3A_831 = arith.constant 0 : i32
      %dma_start3A_832 = tpu.memref_slice %arg3[%dma_start3A_830, %dma_start3A_831] : memref<100000x128xf32, #tpu.memory_space<hbm>> -> memref<100000x128xf32, #tpu.memory_space<hbm>>
      %dma_start3A_833 = tpu.memref_slice %arg8[%dma_start3A_822] : memref<5x!tpu.dma_semaphore, #tpu.memory_space<semaphore_mem>> -> memref<1x!tpu.dma_semaphore, #tpu.memory_space<semaphore_mem>>
      %dma_start3A_834 = tpu.memref_squeeze %dma_start3A_833 : memref<1x!tpu.dma_semaphore, #tpu.memory_space<semaphore_mem>> -> memref<!tpu.dma_semaphore, #tpu.memory_space<semaphore_mem>>
      tpu.enqueue_indirect_dma source(%dma_start3A_832 : memref<100000x128xf32, #tpu.memory_space<hbm>>) target(%dma_start3A_826 : memref<128x128xf32, #tpu.memory_space<vmem>>) offsets(%dma_start3A_829 : memref<128xi32, #tpu.memory_space<vmem>>) semaphore(%dma_start3A_834 : memref<!tpu.dma_semaphore, #tpu.memory_space<semaphore_mem>>)
      %add3A_835 = arith.constant 2 : i32
      %add3A_836 = arith.addi %mul3A_687, %add3A_835 : i32
      %dma_wait3A_837 = arith.constant 2 : i32
      %dma_wait3A_838 = arith.constant 2 : i32
      %dma_wait3A_839 = arith.constant 0 : i32
      %dma_wait3A_840 = arith.constant 0 : i32
      %dma_wait3A_841 = tpu.memref_slice %arg6[%dma_wait3A_837, %dma_wait3A_839, %dma_wait3A_840] : memref<5x128x128xf32, #tpu.memory_space<vmem>> -> memref<1x128x128xf32, #tpu.memory_space<vmem>>
      %dma_wait3A_842 = tpu.memref_squeeze %dma_wait3A_841 : memref<1x128x128xf32, #tpu.memory_space<vmem>> -> memref<128x128xf32, #tpu.memory_space<vmem>>
      %dma_wait3A_843 = arith.constant 0 : i32
      %dma_wait3A_844 = tpu.memref_slice %arg5[%add3A_836, %dma_wait3A_843] : memref<50x128xi32, #tpu.memory_space<vmem>> -> memref<1x128xi32, #tpu.memory_space<vmem>>
      %dma_wait3A_845 = tpu.memref_squeeze %dma_wait3A_844 : memref<1x128xi32, #tpu.memory_space<vmem>> -> memref<128xi32, #tpu.memory_space<vmem>>
      %dma_wait3A_846 = arith.constant 0 : i32
      %dma_wait3A_847 = arith.constant 0 : i32
      %dma_wait3A_848 = tpu.memref_slice %arg3[%dma_wait3A_846, %dma_wait3A_847] : memref<100000x128xf32, #tpu.memory_space<hbm>> -> memref<100000x128xf32, #tpu.memory_space<hbm>>
      %dma_wait3A_849 = tpu.memref_slice %arg8[%dma_wait3A_838] : memref<5x!tpu.dma_semaphore, #tpu.memory_space<semaphore_mem>> -> memref<1x!tpu.dma_semaphore, #tpu.memory_space<semaphore_mem>>
      %dma_wait3A_850 = tpu.memref_squeeze %dma_wait3A_849 : memref<1x!tpu.dma_semaphore, #tpu.memory_space<semaphore_mem>> -> memref<!tpu.dma_semaphore, #tpu.memory_space<semaphore_mem>>
      tpu.wait_indirect_dma semaphore(%dma_wait3A_850 : memref<!tpu.dma_semaphore, #tpu.memory_space<semaphore_mem>>) src(%dma_wait3A_848 : memref<100000x128xf32, #tpu.memory_space<hbm>>) dst(%dma_wait3A_842 : memref<128x128xf32, #tpu.memory_space<vmem>>)
      %mul3A_851 = arith.constant 128 : i32
      %mul3A_852 = arith.muli %add3A_836, %mul3A_851 : i32
      %add3A_853 = arith.addi %mul3A_2, %mul3A_852 : i32
      %dma_start3A_854 = arith.constant 2 : i32
      %dma_start3A_855 = arith.constant 2 : i32
      %dma_start3A_856 = arith.constant 0 : i32
      %dma_start3A_857 = arith.constant 0 : i32
      %dma_start3A_858 = tpu.memref_slice %arg6[%dma_start3A_854, %dma_start3A_856, %dma_start3A_857] : memref<5x128x128xf32, #tpu.memory_space<vmem>> -> memref<1x128x128xf32, #tpu.memory_space<vmem>>
      %dma_start3A_859 = tpu.memref_squeeze %dma_start3A_858 : memref<1x128x128xf32, #tpu.memory_space<vmem>> -> memref<128x128xf32, #tpu.memory_space<vmem>>
      %dma_start3A_860 = arith.constant 0 : i32
      %dma_start3A_861 = tpu.memref_slice %arg4[%add3A_853, %dma_start3A_860] : memref<204800x128xf32, #tpu.memory_space<hbm>> -> memref<128x128xf32, #tpu.memory_space<hbm>>
      %dma_start3A_862 = tpu.memref_slice %arg9[%dma_start3A_855] : memref<5x!tpu.dma_semaphore, #tpu.memory_space<semaphore_mem>> -> memref<1x!tpu.dma_semaphore, #tpu.memory_space<semaphore_mem>>
      %dma_start3A_863 = tpu.memref_squeeze %dma_start3A_862 : memref<1x!tpu.dma_semaphore, #tpu.memory_space<semaphore_mem>> -> memref<!tpu.dma_semaphore, #tpu.memory_space<semaphore_mem>>
      %dma_start3A_864 = arith.constant 0 : i32
      %dma_start3A_865 = tpu.memref_slice %arg4[%add3A_853, %dma_start3A_864] : memref<204800x128xf32, #tpu.memory_space<hbm>> -> memref<128x128xf32, #tpu.memory_space<hbm>>
      %dma_start3A_866 = arith.constant 0 : i32
      %dma_start3A_867 = arith.constant 0 : i32
      %dma_start3A_868 = tpu.memref_slice %arg6[%dma_start3A_854, %dma_start3A_866, %dma_start3A_867] : memref<5x128x128xf32, #tpu.memory_space<vmem>> -> memref<1x128x128xf32, #tpu.memory_space<vmem>>
      %dma_start3A_869 = tpu.memref_squeeze %dma_start3A_868 : memref<1x128x128xf32, #tpu.memory_space<vmem>> -> memref<128x128xf32, #tpu.memory_space<vmem>>
      tpu.enqueue_dma source(%dma_start3A_869 : memref<128x128xf32, #tpu.memory_space<vmem>>) target(%dma_start3A_865 : memref<128x128xf32, #tpu.memory_space<hbm>>) target_semaphore(%dma_start3A_863 : memref<!tpu.dma_semaphore, #tpu.memory_space<semaphore_mem>>)
      %sub3A_870 = arith.constant 1 : i32
      %sub3A_871 = arith.subi %add3A_836, %sub3A_870 : i32
      %mul3A_872 = arith.constant 128 : i32
      %mul3A_873 = arith.muli %sub3A_871, %mul3A_872 : i32
      %add3A_874 = arith.addi %mul3A_2, %mul3A_873 : i32
      %dma_wait3A_875 = arith.constant 1 : i32
      %dma_wait3A_876 = arith.constant 1 : i32
      %dma_wait3A_877 = arith.constant 0 : i32
      %dma_wait3A_878 = arith.constant 0 : i32
      %dma_wait3A_879 = tpu.memref_slice %arg6[%dma_wait3A_875, %dma_wait3A_877, %dma_wait3A_878] : memref<5x128x128xf32, #tpu.memory_space<vmem>> -> memref<1x128x128xf32, #tpu.memory_space<vmem>>
      %dma_wait3A_880 = tpu.memref_squeeze %dma_wait3A_879 : memref<1x128x128xf32, #tpu.memory_space<vmem>> -> memref<128x128xf32, #tpu.memory_space<vmem>>
      %dma_wait3A_881 = arith.constant 0 : i32
      %dma_wait3A_882 = tpu.memref_slice %arg4[%add3A_874, %dma_wait3A_881] : memref<204800x128xf32, #tpu.memory_space<hbm>> -> memref<128x128xf32, #tpu.memory_space<hbm>>
      %dma_wait3A_883 = tpu.memref_slice %arg9[%dma_wait3A_876] : memref<5x!tpu.dma_semaphore, #tpu.memory_space<semaphore_mem>> -> memref<1x!tpu.dma_semaphore, #tpu.memory_space<semaphore_mem>>
      %dma_wait3A_884 = tpu.memref_squeeze %dma_wait3A_883 : memref<1x!tpu.dma_semaphore, #tpu.memory_space<semaphore_mem>> -> memref<!tpu.dma_semaphore, #tpu.memory_space<semaphore_mem>>
      %dma_wait3A_885 = arith.constant 0 : i32
      %dma_wait3A_886 = tpu.memref_slice %arg4[%add3A_874, %dma_wait3A_885] : memref<204800x128xf32, #tpu.memory_space<hbm>> -> memref<128x128xf32, #tpu.memory_space<hbm>>
      %dma_wait3A_887 = arith.constant 0 : i32
      %dma_wait3A_888 = arith.constant 0 : i32
      %dma_wait3A_889 = tpu.memref_slice %arg6[%dma_wait3A_875, %dma_wait3A_887, %dma_wait3A_888] : memref<5x128x128xf32, #tpu.memory_space<vmem>> -> memref<1x128x128xf32, #tpu.memory_space<vmem>>
      %dma_wait3A_890 = tpu.memref_squeeze %dma_wait3A_889 : memref<1x128x128xf32, #tpu.memory_space<vmem>> -> memref<128x128xf32, #tpu.memory_space<vmem>>
      tpu.wait_dma2 semaphore(%dma_wait3A_884 : memref<!tpu.dma_semaphore, #tpu.memory_space<semaphore_mem>>) src(%dma_wait3A_890 : memref<128x128xf32, #tpu.memory_space<vmem>>) dst(%dma_wait3A_886 : memref<128x128xf32, #tpu.memory_space<hbm>>)
      %sub3A_891 = arith.constant 1 : i32
      %sub3A_892 = arith.subi %add3A_836, %sub3A_891 : i32
      %add3A_893 = arith.constant 5 : i32
      %add3A_894 = arith.addi %sub3A_892, %add3A_893 : i32
      %dma_start3A_895 = arith.constant 1 : i32
      %dma_start3A_896 = arith.constant 1 : i32
      %dma_start3A_897 = arith.constant 0 : i32
      %dma_start3A_898 = arith.constant 0 : i32
      %dma_start3A_899 = tpu.memref_slice %arg6[%dma_start3A_895, %dma_start3A_897, %dma_start3A_898] : memref<5x128x128xf32, #tpu.memory_space<vmem>> -> memref<1x128x128xf32, #tpu.memory_space<vmem>>
      %dma_start3A_900 = tpu.memref_squeeze %dma_start3A_899 : memref<1x128x128xf32, #tpu.memory_space<vmem>> -> memref<128x128xf32, #tpu.memory_space<vmem>>
      %dma_start3A_901 = arith.constant 0 : i32
      %dma_start3A_902 = tpu.memref_slice %arg5[%add3A_894, %dma_start3A_901] : memref<50x128xi32, #tpu.memory_space<vmem>> -> memref<1x128xi32, #tpu.memory_space<vmem>>
      %dma_start3A_903 = tpu.memref_squeeze %dma_start3A_902 : memref<1x128xi32, #tpu.memory_space<vmem>> -> memref<128xi32, #tpu.memory_space<vmem>>
      %dma_start3A_904 = arith.constant 0 : i32
      %dma_start3A_905 = arith.constant 0 : i32
      %dma_start3A_906 = tpu.memref_slice %arg3[%dma_start3A_904, %dma_start3A_905] : memref<100000x128xf32, #tpu.memory_space<hbm>> -> memref<100000x128xf32, #tpu.memory_space<hbm>>
      %dma_start3A_907 = tpu.memref_slice %arg8[%dma_start3A_896] : memref<5x!tpu.dma_semaphore, #tpu.memory_space<semaphore_mem>> -> memref<1x!tpu.dma_semaphore, #tpu.memory_space<semaphore_mem>>
      %dma_start3A_908 = tpu.memref_squeeze %dma_start3A_907 : memref<1x!tpu.dma_semaphore, #tpu.memory_space<semaphore_mem>> -> memref<!tpu.dma_semaphore, #tpu.memory_space<semaphore_mem>>
      tpu.enqueue_indirect_dma source(%dma_start3A_906 : memref<100000x128xf32, #tpu.memory_space<hbm>>) target(%dma_start3A_900 : memref<128x128xf32, #tpu.memory_space<vmem>>) offsets(%dma_start3A_903 : memref<128xi32, #tpu.memory_space<vmem>>) semaphore(%dma_start3A_908 : memref<!tpu.dma_semaphore, #tpu.memory_space<semaphore_mem>>)
      %add3A_909 = arith.constant 3 : i32
      %add3A_910 = arith.addi %mul3A_687, %add3A_909 : i32
      %dma_wait3A_911 = arith.constant 3 : i32
      %dma_wait3A_912 = arith.constant 3 : i32
      %dma_wait3A_913 = arith.constant 0 : i32
      %dma_wait3A_914 = arith.constant 0 : i32
      %dma_wait3A_915 = tpu.memref_slice %arg6[%dma_wait3A_911, %dma_wait3A_913, %dma_wait3A_914] : memref<5x128x128xf32, #tpu.memory_space<vmem>> -> memref<1x128x128xf32, #tpu.memory_space<vmem>>
      %dma_wait3A_916 = tpu.memref_squeeze %dma_wait3A_915 : memref<1x128x128xf32, #tpu.memory_space<vmem>> -> memref<128x128xf32, #tpu.memory_space<vmem>>
      %dma_wait3A_917 = arith.constant 0 : i32
      %dma_wait3A_918 = tpu.memref_slice %arg5[%add3A_910, %dma_wait3A_917] : memref<50x128xi32, #tpu.memory_space<vmem>> -> memref<1x128xi32, #tpu.memory_space<vmem>>
      %dma_wait3A_919 = tpu.memref_squeeze %dma_wait3A_918 : memref<1x128xi32, #tpu.memory_space<vmem>> -> memref<128xi32, #tpu.memory_space<vmem>>
      %dma_wait3A_920 = arith.constant 0 : i32
      %dma_wait3A_921 = arith.constant 0 : i32
      %dma_wait3A_922 = tpu.memref_slice %arg3[%dma_wait3A_920, %dma_wait3A_921] : memref<100000x128xf32, #tpu.memory_space<hbm>> -> memref<100000x128xf32, #tpu.memory_space<hbm>>
      %dma_wait3A_923 = tpu.memref_slice %arg8[%dma_wait3A_912] : memref<5x!tpu.dma_semaphore, #tpu.memory_space<semaphore_mem>> -> memref<1x!tpu.dma_semaphore, #tpu.memory_space<semaphore_mem>>
      %dma_wait3A_924 = tpu.memref_squeeze %dma_wait3A_923 : memref<1x!tpu.dma_semaphore, #tpu.memory_space<semaphore_mem>> -> memref<!tpu.dma_semaphore, #tpu.memory_space<semaphore_mem>>
      tpu.wait_indirect_dma semaphore(%dma_wait3A_924 : memref<!tpu.dma_semaphore, #tpu.memory_space<semaphore_mem>>) src(%dma_wait3A_922 : memref<100000x128xf32, #tpu.memory_space<hbm>>) dst(%dma_wait3A_916 : memref<128x128xf32, #tpu.memory_space<vmem>>)
      %mul3A_925 = arith.constant 128 : i32
      %mul3A_926 = arith.muli %add3A_910, %mul3A_925 : i32
      %add3A_927 = arith.addi %mul3A_2, %mul3A_926 : i32
      %dma_start3A_928 = arith.constant 3 : i32
      %dma_start3A_929 = arith.constant 3 : i32
      %dma_start3A_930 = arith.constant 0 : i32
      %dma_start3A_931 = arith.constant 0 : i32
      %dma_start3A_932 = tpu.memref_slice %arg6[%dma_start3A_928, %dma_start3A_930, %dma_start3A_931] : memref<5x128x128xf32, #tpu.memory_space<vmem>> -> memref<1x128x128xf32, #tpu.memory_space<vmem>>
      %dma_start3A_933 = tpu.memref_squeeze %dma_start3A_932 : memref<1x128x128xf32, #tpu.memory_space<vmem>> -> memref<128x128xf32, #tpu.memory_space<vmem>>
      %dma_start3A_934 = arith.constant 0 : i32
      %dma_start3A_935 = tpu.memref_slice %arg4[%add3A_927, %dma_start3A_934] : memref<204800x128xf32, #tpu.memory_space<hbm>> -> memref<128x128xf32, #tpu.memory_space<hbm>>
      %dma_start3A_936 = tpu.memref_slice %arg9[%dma_start3A_929] : memref<5x!tpu.dma_semaphore, #tpu.memory_space<semaphore_mem>> -> memref<1x!tpu.dma_semaphore, #tpu.memory_space<semaphore_mem>>
      %dma_start3A_937 = tpu.memref_squeeze %dma_start3A_936 : memref<1x!tpu.dma_semaphore, #tpu.memory_space<semaphore_mem>> -> memref<!tpu.dma_semaphore, #tpu.memory_space<semaphore_mem>>
      %dma_start3A_938 = arith.constant 0 : i32
      %dma_start3A_939 = tpu.memref_slice %arg4[%add3A_927, %dma_start3A_938] : memref<204800x128xf32, #tpu.memory_space<hbm>> -> memref<128x128xf32, #tpu.memory_space<hbm>>
      %dma_start3A_940 = arith.constant 0 : i32
      %dma_start3A_941 = arith.constant 0 : i32
      %dma_start3A_942 = tpu.memref_slice %arg6[%dma_start3A_928, %dma_start3A_940, %dma_start3A_941] : memref<5x128x128xf32, #tpu.memory_space<vmem>> -> memref<1x128x128xf32, #tpu.memory_space<vmem>>
      %dma_start3A_943 = tpu.memref_squeeze %dma_start3A_942 : memref<1x128x128xf32, #tpu.memory_space<vmem>> -> memref<128x128xf32, #tpu.memory_space<vmem>>
      tpu.enqueue_dma source(%dma_start3A_943 : memref<128x128xf32, #tpu.memory_space<vmem>>) target(%dma_start3A_939 : memref<128x128xf32, #tpu.memory_space<hbm>>) target_semaphore(%dma_start3A_937 : memref<!tpu.dma_semaphore, #tpu.memory_space<semaphore_mem>>)
      %sub3A_944 = arith.constant 1 : i32
      %sub3A_945 = arith.subi %add3A_910, %sub3A_944 : i32
      %mul3A_946 = arith.constant 128 : i32
      %mul3A_947 = arith.muli %sub3A_945, %mul3A_946 : i32
      %add3A_948 = arith.addi %mul3A_2, %mul3A_947 : i32
      %dma_wait3A_949 = arith.constant 2 : i32
      %dma_wait3A_950 = arith.constant 2 : i32
      %dma_wait3A_951 = arith.constant 0 : i32
      %dma_wait3A_952 = arith.constant 0 : i32
      %dma_wait3A_953 = tpu.memref_slice %arg6[%dma_wait3A_949, %dma_wait3A_951, %dma_wait3A_952] : memref<5x128x128xf32, #tpu.memory_space<vmem>> -> memref<1x128x128xf32, #tpu.memory_space<vmem>>
      %dma_wait3A_954 = tpu.memref_squeeze %dma_wait3A_953 : memref<1x128x128xf32, #tpu.memory_space<vmem>> -> memref<128x128xf32, #tpu.memory_space<vmem>>
      %dma_wait3A_955 = arith.constant 0 : i32
      %dma_wait3A_956 = tpu.memref_slice %arg4[%add3A_948, %dma_wait3A_955] : memref<204800x128xf32, #tpu.memory_space<hbm>> -> memref<128x128xf32, #tpu.memory_space<hbm>>
      %dma_wait3A_957 = tpu.memref_slice %arg9[%dma_wait3A_950] : memref<5x!tpu.dma_semaphore, #tpu.memory_space<semaphore_mem>> -> memref<1x!tpu.dma_semaphore, #tpu.memory_space<semaphore_mem>>
      %dma_wait3A_958 = tpu.memref_squeeze %dma_wait3A_957 : memref<1x!tpu.dma_semaphore, #tpu.memory_space<semaphore_mem>> -> memref<!tpu.dma_semaphore, #tpu.memory_space<semaphore_mem>>
      %dma_wait3A_959 = arith.constant 0 : i32
      %dma_wait3A_960 = tpu.memref_slice %arg4[%add3A_948, %dma_wait3A_959] : memref<204800x128xf32, #tpu.memory_space<hbm>> -> memref<128x128xf32, #tpu.memory_space<hbm>>
      %dma_wait3A_961 = arith.constant 0 : i32
      %dma_wait3A_962 = arith.constant 0 : i32
      %dma_wait3A_963 = tpu.memref_slice %arg6[%dma_wait3A_949, %dma_wait3A_961, %dma_wait3A_962] : memref<5x128x128xf32, #tpu.memory_space<vmem>> -> memref<1x128x128xf32, #tpu.memory_space<vmem>>
      %dma_wait3A_964 = tpu.memref_squeeze %dma_wait3A_963 : memref<1x128x128xf32, #tpu.memory_space<vmem>> -> memref<128x128xf32, #tpu.memory_space<vmem>>
      tpu.wait_dma2 semaphore(%dma_wait3A_958 : memref<!tpu.dma_semaphore, #tpu.memory_space<semaphore_mem>>) src(%dma_wait3A_964 : memref<128x128xf32, #tpu.memory_space<vmem>>) dst(%dma_wait3A_960 : memref<128x128xf32, #tpu.memory_space<hbm>>)
      %sub3A_965 = arith.constant 1 : i32
      %sub3A_966 = arith.subi %add3A_910, %sub3A_965 : i32
      %add3A_967 = arith.constant 5 : i32
      %add3A_968 = arith.addi %sub3A_966, %add3A_967 : i32
      %dma_start3A_969 = arith.constant 2 : i32
      %dma_start3A_970 = arith.constant 2 : i32
      %dma_start3A_971 = arith.constant 0 : i32
      %dma_start3A_972 = arith.constant 0 : i32
      %dma_start3A_973 = tpu.memref_slice %arg6[%dma_start3A_969, %dma_start3A_971, %dma_start3A_972] : memref<5x128x128xf32, #tpu.memory_space<vmem>> -> memref<1x128x128xf32, #tpu.memory_space<vmem>>
      %dma_start3A_974 = tpu.memref_squeeze %dma_start3A_973 : memref<1x128x128xf32, #tpu.memory_space<vmem>> -> memref<128x128xf32, #tpu.memory_space<vmem>>
      %dma_start3A_975 = arith.constant 0 : i32
      %dma_start3A_976 = tpu.memref_slice %arg5[%add3A_968, %dma_start3A_975] : memref<50x128xi32, #tpu.memory_space<vmem>> -> memref<1x128xi32, #tpu.memory_space<vmem>>
      %dma_start3A_977 = tpu.memref_squeeze %dma_start3A_976 : memref<1x128xi32, #tpu.memory_space<vmem>> -> memref<128xi32, #tpu.memory_space<vmem>>
      %dma_start3A_978 = arith.constant 0 : i32
      %dma_start3A_979 = arith.constant 0 : i32
      %dma_start3A_980 = tpu.memref_slice %arg3[%dma_start3A_978, %dma_start3A_979] : memref<100000x128xf32, #tpu.memory_space<hbm>> -> memref<100000x128xf32, #tpu.memory_space<hbm>>
      %dma_start3A_981 = tpu.memref_slice %arg8[%dma_start3A_970] : memref<5x!tpu.dma_semaphore, #tpu.memory_space<semaphore_mem>> -> memref<1x!tpu.dma_semaphore, #tpu.memory_space<semaphore_mem>>
      %dma_start3A_982 = tpu.memref_squeeze %dma_start3A_981 : memref<1x!tpu.dma_semaphore, #tpu.memory_space<semaphore_mem>> -> memref<!tpu.dma_semaphore, #tpu.memory_space<semaphore_mem>>
      tpu.enqueue_indirect_dma source(%dma_start3A_980 : memref<100000x128xf32, #tpu.memory_space<hbm>>) target(%dma_start3A_974 : memref<128x128xf32, #tpu.memory_space<vmem>>) offsets(%dma_start3A_977 : memref<128xi32, #tpu.memory_space<vmem>>) semaphore(%dma_start3A_982 : memref<!tpu.dma_semaphore, #tpu.memory_space<semaphore_mem>>)
      %add3A_983 = arith.constant 4 : i32
      %add3A_984 = arith.addi %mul3A_687, %add3A_983 : i32
      %dma_wait3A_985 = arith.constant 4 : i32
      %dma_wait3A_986 = arith.constant 4 : i32
      %dma_wait3A_987 = arith.constant 0 : i32
      %dma_wait3A_988 = arith.constant 0 : i32
      %dma_wait3A_989 = tpu.memref_slice %arg6[%dma_wait3A_985, %dma_wait3A_987, %dma_wait3A_988] : memref<5x128x128xf32, #tpu.memory_space<vmem>> -> memref<1x128x128xf32, #tpu.memory_space<vmem>>
      %dma_wait3A_990 = tpu.memref_squeeze %dma_wait3A_989 : memref<1x128x128xf32, #tpu.memory_space<vmem>> -> memref<128x128xf32, #tpu.memory_space<vmem>>
      %dma_wait3A_991 = arith.constant 0 : i32
      %dma_wait3A_992 = tpu.memref_slice %arg5[%add3A_984, %dma_wait3A_991] : memref<50x128xi32, #tpu.memory_space<vmem>> -> memref<1x128xi32, #tpu.memory_space<vmem>>
      %dma_wait3A_993 = tpu.memref_squeeze %dma_wait3A_992 : memref<1x128xi32, #tpu.memory_space<vmem>> -> memref<128xi32, #tpu.memory_space<vmem>>
      %dma_wait3A_994 = arith.constant 0 : i32
      %dma_wait3A_995 = arith.constant 0 : i32
      %dma_wait3A_996 = tpu.memref_slice %arg3[%dma_wait3A_994, %dma_wait3A_995] : memref<100000x128xf32, #tpu.memory_space<hbm>> -> memref<100000x128xf32, #tpu.memory_space<hbm>>
      %dma_wait3A_997 = tpu.memref_slice %arg8[%dma_wait3A_986] : memref<5x!tpu.dma_semaphore, #tpu.memory_space<semaphore_mem>> -> memref<1x!tpu.dma_semaphore, #tpu.memory_space<semaphore_mem>>
      %dma_wait3A_998 = tpu.memref_squeeze %dma_wait3A_997 : memref<1x!tpu.dma_semaphore, #tpu.memory_space<semaphore_mem>> -> memref<!tpu.dma_semaphore, #tpu.memory_space<semaphore_mem>>
      tpu.wait_indirect_dma semaphore(%dma_wait3A_998 : memref<!tpu.dma_semaphore, #tpu.memory_space<semaphore_mem>>) src(%dma_wait3A_996 : memref<100000x128xf32, #tpu.memory_space<hbm>>) dst(%dma_wait3A_990 : memref<128x128xf32, #tpu.memory_space<vmem>>)
      %mul3A_999 = arith.constant 128 : i32
      %mul3A_1000 = arith.muli %add3A_984, %mul3A_999 : i32
      %add3A_1001 = arith.addi %mul3A_2, %mul3A_1000 : i32
      %dma_start3A_1002 = arith.constant 4 : i32
      %dma_start3A_1003 = arith.constant 4 : i32
      %dma_start3A_1004 = arith.constant 0 : i32
      %dma_start3A_1005 = arith.constant 0 : i32
      %dma_start3A_1006 = tpu.memref_slice %arg6[%dma_start3A_1002, %dma_start3A_1004, %dma_start3A_1005] : memref<5x128x128xf32, #tpu.memory_space<vmem>> -> memref<1x128x128xf32, #tpu.memory_space<vmem>>
      %dma_start3A_1007 = tpu.memref_squeeze %dma_start3A_1006 : memref<1x128x128xf32, #tpu.memory_space<vmem>> -> memref<128x128xf32, #tpu.memory_space<vmem>>
      %dma_start3A_1008 = arith.constant 0 : i32
      %dma_start3A_1009 = tpu.memref_slice %arg4[%add3A_1001, %dma_start3A_1008] : memref<204800x128xf32, #tpu.memory_space<hbm>> -> memref<128x128xf32, #tpu.memory_space<hbm>>
      %dma_start3A_1010 = tpu.memref_slice %arg9[%dma_start3A_1003] : memref<5x!tpu.dma_semaphore, #tpu.memory_space<semaphore_mem>> -> memref<1x!tpu.dma_semaphore, #tpu.memory_space<semaphore_mem>>
      %dma_start3A_1011 = tpu.memref_squeeze %dma_start3A_1010 : memref<1x!tpu.dma_semaphore, #tpu.memory_space<semaphore_mem>> -> memref<!tpu.dma_semaphore, #tpu.memory_space<semaphore_mem>>
      %dma_start3A_1012 = arith.constant 0 : i32
      %dma_start3A_1013 = tpu.memref_slice %arg4[%add3A_1001, %dma_start3A_1012] : memref<204800x128xf32, #tpu.memory_space<hbm>> -> memref<128x128xf32, #tpu.memory_space<hbm>>
      %dma_start3A_1014 = arith.constant 0 : i32
      %dma_start3A_1015 = arith.constant 0 : i32
      %dma_start3A_1016 = tpu.memref_slice %arg6[%dma_start3A_1002, %dma_start3A_1014, %dma_start3A_1015] : memref<5x128x128xf32, #tpu.memory_space<vmem>> -> memref<1x128x128xf32, #tpu.memory_space<vmem>>
      %dma_start3A_1017 = tpu.memref_squeeze %dma_start3A_1016 : memref<1x128x128xf32, #tpu.memory_space<vmem>> -> memref<128x128xf32, #tpu.memory_space<vmem>>
      tpu.enqueue_dma source(%dma_start3A_1017 : memref<128x128xf32, #tpu.memory_space<vmem>>) target(%dma_start3A_1013 : memref<128x128xf32, #tpu.memory_space<hbm>>) target_semaphore(%dma_start3A_1011 : memref<!tpu.dma_semaphore, #tpu.memory_space<semaphore_mem>>)
      %sub3A_1018 = arith.constant 1 : i32
      %sub3A_1019 = arith.subi %add3A_984, %sub3A_1018 : i32
      %mul3A_1020 = arith.constant 128 : i32
      %mul3A_1021 = arith.muli %sub3A_1019, %mul3A_1020 : i32
      %add3A_1022 = arith.addi %mul3A_2, %mul3A_1021 : i32
      %dma_wait3A_1023 = arith.constant 3 : i32
      %dma_wait3A_1024 = arith.constant 3 : i32
      %dma_wait3A_1025 = arith.constant 0 : i32
      %dma_wait3A_1026 = arith.constant 0 : i32
      %dma_wait3A_1027 = tpu.memref_slice %arg6[%dma_wait3A_1023, %dma_wait3A_1025, %dma_wait3A_1026] : memref<5x128x128xf32, #tpu.memory_space<vmem>> -> memref<1x128x128xf32, #tpu.memory_space<vmem>>
      %dma_wait3A_1028 = tpu.memref_squeeze %dma_wait3A_1027 : memref<1x128x128xf32, #tpu.memory_space<vmem>> -> memref<128x128xf32, #tpu.memory_space<vmem>>
      %dma_wait3A_1029 = arith.constant 0 : i32
      %dma_wait3A_1030 = tpu.memref_slice %arg4[%add3A_1022, %dma_wait3A_1029] : memref<204800x128xf32, #tpu.memory_space<hbm>> -> memref<128x128xf32, #tpu.memory_space<hbm>>
      %dma_wait3A_1031 = tpu.memref_slice %arg9[%dma_wait3A_1024] : memref<5x!tpu.dma_semaphore, #tpu.memory_space<semaphore_mem>> -> memref<1x!tpu.dma_semaphore, #tpu.memory_space<semaphore_mem>>
      %dma_wait3A_1032 = tpu.memref_squeeze %dma_wait3A_1031 : memref<1x!tpu.dma_semaphore, #tpu.memory_space<semaphore_mem>> -> memref<!tpu.dma_semaphore, #tpu.memory_space<semaphore_mem>>
      %dma_wait3A_1033 = arith.constant 0 : i32
      %dma_wait3A_1034 = tpu.memref_slice %arg4[%add3A_1022, %dma_wait3A_1033] : memref<204800x128xf32, #tpu.memory_space<hbm>> -> memref<128x128xf32, #tpu.memory_space<hbm>>
      %dma_wait3A_1035 = arith.constant 0 : i32
      %dma_wait3A_1036 = arith.constant 0 : i32
      %dma_wait3A_1037 = tpu.memref_slice %arg6[%dma_wait3A_1023, %dma_wait3A_1035, %dma_wait3A_1036] : memref<5x128x128xf32, #tpu.memory_space<vmem>> -> memref<1x128x128xf32, #tpu.memory_space<vmem>>
      %dma_wait3A_1038 = tpu.memref_squeeze %dma_wait3A_1037 : memref<1x128x128xf32, #tpu.memory_space<vmem>> -> memref<128x128xf32, #tpu.memory_space<vmem>>
      tpu.wait_dma2 semaphore(%dma_wait3A_1032 : memref<!tpu.dma_semaphore, #tpu.memory_space<semaphore_mem>>) src(%dma_wait3A_1038 : memref<128x128xf32, #tpu.memory_space<vmem>>) dst(%dma_wait3A_1034 : memref<128x128xf32, #tpu.memory_space<hbm>>)
      %sub3A_1039 = arith.constant 1 : i32
      %sub3A_1040 = arith.subi %add3A_984, %sub3A_1039 : i32
      %add3A_1041 = arith.constant 5 : i32
      %add3A_1042 = arith.addi %sub3A_1040, %add3A_1041 : i32
      %dma_start3A_1043 = arith.constant 3 : i32
      %dma_start3A_1044 = arith.constant 3 : i32
      %dma_start3A_1045 = arith.constant 0 : i32
      %dma_start3A_1046 = arith.constant 0 : i32
      %dma_start3A_1047 = tpu.memref_slice %arg6[%dma_start3A_1043, %dma_start3A_1045, %dma_start3A_1046] : memref<5x128x128xf32, #tpu.memory_space<vmem>> -> memref<1x128x128xf32, #tpu.memory_space<vmem>>
      %dma_start3A_1048 = tpu.memref_squeeze %dma_start3A_1047 : memref<1x128x128xf32, #tpu.memory_space<vmem>> -> memref<128x128xf32, #tpu.memory_space<vmem>>
      %dma_start3A_1049 = arith.constant 0 : i32
      %dma_start3A_1050 = tpu.memref_slice %arg5[%add3A_1042, %dma_start3A_1049] : memref<50x128xi32, #tpu.memory_space<vmem>> -> memref<1x128xi32, #tpu.memory_space<vmem>>
      %dma_start3A_1051 = tpu.memref_squeeze %dma_start3A_1050 : memref<1x128xi32, #tpu.memory_space<vmem>> -> memref<128xi32, #tpu.memory_space<vmem>>
      %dma_start3A_1052 = arith.constant 0 : i32
      %dma_start3A_1053 = arith.constant 0 : i32
      %dma_start3A_1054 = tpu.memref_slice %arg3[%dma_start3A_1052, %dma_start3A_1053] : memref<100000x128xf32, #tpu.memory_space<hbm>> -> memref<100000x128xf32, #tpu.memory_space<hbm>>
      %dma_start3A_1055 = tpu.memref_slice %arg8[%dma_start3A_1044] : memref<5x!tpu.dma_semaphore, #tpu.memory_space<semaphore_mem>> -> memref<1x!tpu.dma_semaphore, #tpu.memory_space<semaphore_mem>>
      %dma_start3A_1056 = tpu.memref_squeeze %dma_start3A_1055 : memref<1x!tpu.dma_semaphore, #tpu.memory_space<semaphore_mem>> -> memref<!tpu.dma_semaphore, #tpu.memory_space<semaphore_mem>>
      tpu.enqueue_indirect_dma source(%dma_start3A_1054 : memref<100000x128xf32, #tpu.memory_space<hbm>>) target(%dma_start3A_1048 : memref<128x128xf32, #tpu.memory_space<vmem>>) offsets(%dma_start3A_1051 : memref<128xi32, #tpu.memory_space<vmem>>) semaphore(%dma_start3A_1056 : memref<!tpu.dma_semaphore, #tpu.memory_space<semaphore_mem>>)
    }
    %scan3A_392 = arith.constant 8 : i32
    %dma_wait3A_393 = arith.constant 45 : i32
    %dma_wait3A_394 = arith.constant 0 : i32
    %dma_wait3A_395 = arith.constant 0 : i32
    %dma_wait3A_396 = arith.constant 0 : i32
    %dma_wait3A_397 = arith.constant 0 : i32
    %dma_wait3A_398 = tpu.memref_slice %arg6[%dma_wait3A_394, %dma_wait3A_396, %dma_wait3A_397] : memref<5x128x128xf32, #tpu.memory_space<vmem>> -> memref<1x128x128xf32, #tpu.memory_space<vmem>>
    %dma_wait3A_399 = tpu.memref_squeeze %dma_wait3A_398 : memref<1x128x128xf32, #tpu.memory_space<vmem>> -> memref<128x128xf32, #tpu.memory_space<vmem>>
    %dma_wait3A_400 = arith.constant 0 : i32
    %dma_wait3A_401 = tpu.memref_slice %arg5[%dma_wait3A_393, %dma_wait3A_400] : memref<50x128xi32, #tpu.memory_space<vmem>> -> memref<1x128xi32, #tpu.memory_space<vmem>>
    %dma_wait3A_402 = tpu.memref_squeeze %dma_wait3A_401 : memref<1x128xi32, #tpu.memory_space<vmem>> -> memref<128xi32, #tpu.memory_space<vmem>>
    %dma_wait3A_403 = arith.constant 0 : i32
    %dma_wait3A_404 = arith.constant 0 : i32
    %dma_wait3A_405 = tpu.memref_slice %arg3[%dma_wait3A_403, %dma_wait3A_404] : memref<100000x128xf32, #tpu.memory_space<hbm>> -> memref<100000x128xf32, #tpu.memory_space<hbm>>
    %dma_wait3A_406 = tpu.memref_slice %arg8[%dma_wait3A_395] : memref<5x!tpu.dma_semaphore, #tpu.memory_space<semaphore_mem>> -> memref<1x!tpu.dma_semaphore, #tpu.memory_space<semaphore_mem>>
    %dma_wait3A_407 = tpu.memref_squeeze %dma_wait3A_406 : memref<1x!tpu.dma_semaphore, #tpu.memory_space<semaphore_mem>> -> memref<!tpu.dma_semaphore, #tpu.memory_space<semaphore_mem>>
    tpu.wait_indirect_dma semaphore(%dma_wait3A_407 : memref<!tpu.dma_semaphore, #tpu.memory_space<semaphore_mem>>) src(%dma_wait3A_405 : memref<100000x128xf32, #tpu.memory_space<hbm>>) dst(%dma_wait3A_399 : memref<128x128xf32, #tpu.memory_space<vmem>>)
    %add3A_408 = arith.constant 5760 : i32
    %add3A_409 = arith.addi %mul3A_2, %add3A_408 : i32
    %dma_start3A_410 = arith.constant 0 : i32
    %dma_start3A_411 = arith.constant 0 : i32
    %dma_start3A_412 = arith.constant 0 : i32
    %dma_start3A_413 = arith.constant 0 : i32
    %dma_start3A_414 = tpu.memref_slice %arg6[%dma_start3A_410, %dma_start3A_412, %dma_start3A_413] : memref<5x128x128xf32, #tpu.memory_space<vmem>> -> memref<1x128x128xf32, #tpu.memory_space<vmem>>
    %dma_start3A_415 = tpu.memref_squeeze %dma_start3A_414 : memref<1x128x128xf32, #tpu.memory_space<vmem>> -> memref<128x128xf32, #tpu.memory_space<vmem>>
    %dma_start3A_416 = arith.constant 0 : i32
    %dma_start3A_417 = tpu.memref_slice %arg4[%add3A_409, %dma_start3A_416] : memref<204800x128xf32, #tpu.memory_space<hbm>> -> memref<128x128xf32, #tpu.memory_space<hbm>>
    %dma_start3A_418 = tpu.memref_slice %arg9[%dma_start3A_411] : memref<5x!tpu.dma_semaphore, #tpu.memory_space<semaphore_mem>> -> memref<1x!tpu.dma_semaphore, #tpu.memory_space<semaphore_mem>>
    %dma_start3A_419 = tpu.memref_squeeze %dma_start3A_418 : memref<1x!tpu.dma_semaphore, #tpu.memory_space<semaphore_mem>> -> memref<!tpu.dma_semaphore, #tpu.memory_space<semaphore_mem>>
    %dma_start3A_420 = arith.constant 0 : i32
    %dma_start3A_421 = tpu.memref_slice %arg4[%add3A_409, %dma_start3A_420] : memref<204800x128xf32, #tpu.memory_space<hbm>> -> memref<128x128xf32, #tpu.memory_space<hbm>>
    %dma_start3A_422 = arith.constant 0 : i32
    %dma_start3A_423 = arith.constant 0 : i32
    %dma_start3A_424 = tpu.memref_slice %arg6[%dma_start3A_410, %dma_start3A_422, %dma_start3A_423] : memref<5x128x128xf32, #tpu.memory_space<vmem>> -> memref<1x128x128xf32, #tpu.memory_space<vmem>>
    %dma_start3A_425 = tpu.memref_squeeze %dma_start3A_424 : memref<1x128x128xf32, #tpu.memory_space<vmem>> -> memref<128x128xf32, #tpu.memory_space<vmem>>
    tpu.enqueue_dma source(%dma_start3A_425 : memref<128x128xf32, #tpu.memory_space<vmem>>) target(%dma_start3A_421 : memref<128x128xf32, #tpu.memory_space<hbm>>) target_semaphore(%dma_start3A_419 : memref<!tpu.dma_semaphore, #tpu.memory_space<semaphore_mem>>)
    %add3A_426 = arith.constant 5632 : i32
    %add3A_427 = arith.addi %mul3A_2, %add3A_426 : i32
    %dma_wait3A_428 = arith.constant 4 : i32
    %dma_wait3A_429 = arith.constant 4 : i32
    %dma_wait3A_430 = arith.constant 0 : i32
    %dma_wait3A_431 = arith.constant 0 : i32
    %dma_wait3A_432 = tpu.memref_slice %arg6[%dma_wait3A_428, %dma_wait3A_430, %dma_wait3A_431] : memref<5x128x128xf32, #tpu.memory_space<vmem>> -> memref<1x128x128xf32, #tpu.memory_space<vmem>>
    %dma_wait3A_433 = tpu.memref_squeeze %dma_wait3A_432 : memref<1x128x128xf32, #tpu.memory_space<vmem>> -> memref<128x128xf32, #tpu.memory_space<vmem>>
    %dma_wait3A_434 = arith.constant 0 : i32
    %dma_wait3A_435 = tpu.memref_slice %arg4[%add3A_427, %dma_wait3A_434] : memref<204800x128xf32, #tpu.memory_space<hbm>> -> memref<128x128xf32, #tpu.memory_space<hbm>>
    %dma_wait3A_436 = tpu.memref_slice %arg9[%dma_wait3A_429] : memref<5x!tpu.dma_semaphore, #tpu.memory_space<semaphore_mem>> -> memref<1x!tpu.dma_semaphore, #tpu.memory_space<semaphore_mem>>
    %dma_wait3A_437 = tpu.memref_squeeze %dma_wait3A_436 : memref<1x!tpu.dma_semaphore, #tpu.memory_space<semaphore_mem>> -> memref<!tpu.dma_semaphore, #tpu.memory_space<semaphore_mem>>
    %dma_wait3A_438 = arith.constant 0 : i32
    %dma_wait3A_439 = tpu.memref_slice %arg4[%add3A_427, %dma_wait3A_438] : memref<204800x128xf32, #tpu.memory_space<hbm>> -> memref<128x128xf32, #tpu.memory_space<hbm>>
    %dma_wait3A_440 = arith.constant 0 : i32
    %dma_wait3A_441 = arith.constant 0 : i32
    %dma_wait3A_442 = tpu.memref_slice %arg6[%dma_wait3A_428, %dma_wait3A_440, %dma_wait3A_441] : memref<5x128x128xf32, #tpu.memory_space<vmem>> -> memref<1x128x128xf32, #tpu.memory_space<vmem>>
    %dma_wait3A_443 = tpu.memref_squeeze %dma_wait3A_442 : memref<1x128x128xf32, #tpu.memory_space<vmem>> -> memref<128x128xf32, #tpu.memory_space<vmem>>
    tpu.wait_dma2 semaphore(%dma_wait3A_437 : memref<!tpu.dma_semaphore, #tpu.memory_space<semaphore_mem>>) src(%dma_wait3A_443 : memref<128x128xf32, #tpu.memory_space<vmem>>) dst(%dma_wait3A_439 : memref<128x128xf32, #tpu.memory_space<hbm>>)
    %dma_start3A_444 = arith.constant 49 : i32
    %dma_start3A_445 = arith.constant 4 : i32
    %dma_start3A_446 = arith.constant 4 : i32
    %dma_start3A_447 = arith.constant 0 : i32
    %dma_start3A_448 = arith.constant 0 : i32
    %dma_start3A_449 = tpu.memref_slice %arg6[%dma_start3A_445, %dma_start3A_447, %dma_start3A_448] : memref<5x128x128xf32, #tpu.memory_space<vmem>> -> memref<1x128x128xf32, #tpu.memory_space<vmem>>
    %dma_start3A_450 = tpu.memref_squeeze %dma_start3A_449 : memref<1x128x128xf32, #tpu.memory_space<vmem>> -> memref<128x128xf32, #tpu.memory_space<vmem>>
    %dma_start3A_451 = arith.constant 0 : i32
    %dma_start3A_452 = tpu.memref_slice %arg5[%dma_start3A_444, %dma_start3A_451] : memref<50x128xi32, #tpu.memory_space<vmem>> -> memref<1x128xi32, #tpu.memory_space<vmem>>
    %dma_start3A_453 = tpu.memref_squeeze %dma_start3A_452 : memref<1x128xi32, #tpu.memory_space<vmem>> -> memref<128xi32, #tpu.memory_space<vmem>>
    %dma_start3A_454 = arith.constant 0 : i32
    %dma_start3A_455 = arith.constant 0 : i32
    %dma_start3A_456 = tpu.memref_slice %arg3[%dma_start3A_454, %dma_start3A_455] : memref<100000x128xf32, #tpu.memory_space<hbm>> -> memref<100000x128xf32, #tpu.memory_space<hbm>>
    %dma_start3A_457 = tpu.memref_slice %arg8[%dma_start3A_446] : memref<5x!tpu.dma_semaphore, #tpu.memory_space<semaphore_mem>> -> memref<1x!tpu.dma_semaphore, #tpu.memory_space<semaphore_mem>>
    %dma_start3A_458 = tpu.memref_squeeze %dma_start3A_457 : memref<1x!tpu.dma_semaphore, #tpu.memory_space<semaphore_mem>> -> memref<!tpu.dma_semaphore, #tpu.memory_space<semaphore_mem>>
    tpu.enqueue_indirect_dma source(%dma_start3A_456 : memref<100000x128xf32, #tpu.memory_space<hbm>>) target(%dma_start3A_450 : memref<128x128xf32, #tpu.memory_space<vmem>>) offsets(%dma_start3A_453 : memref<128xi32, #tpu.memory_space<vmem>>) semaphore(%dma_start3A_458 : memref<!tpu.dma_semaphore, #tpu.memory_space<semaphore_mem>>)
    %dma_wait3A_459 = arith.constant 46 : i32
    %dma_wait3A_460 = arith.constant 1 : i32
    %dma_wait3A_461 = arith.constant 1 : i32
    %dma_wait3A_462 = arith.constant 0 : i32
    %dma_wait3A_463 = arith.constant 0 : i32
    %dma_wait3A_464 = tpu.memref_slice %arg6[%dma_wait3A_460, %dma_wait3A_462, %dma_wait3A_463] : memref<5x128x128xf32, #tpu.memory_space<vmem>> -> memref<1x128x128xf32, #tpu.memory_space<vmem>>
    %dma_wait3A_465 = tpu.memref_squeeze %dma_wait3A_464 : memref<1x128x128xf32, #tpu.memory_space<vmem>> -> memref<128x128xf32, #tpu.memory_space<vmem>>
    %dma_wait3A_466 = arith.constant 0 : i32
    %dma_wait3A_467 = tpu.memref_slice %arg5[%dma_wait3A_459, %dma_wait3A_466] : memref<50x128xi32, #tpu.memory_space<vmem>> -> memref<1x128xi32, #tpu.memory_space<vmem>>
    %dma_wait3A_468 = tpu.memref_squeeze %dma_wait3A_467 : memref<1x128xi32, #tpu.memory_space<vmem>> -> memref<128xi32, #tpu.memory_space<vmem>>
    %dma_wait3A_469 = arith.constant 0 : i32
    %dma_wait3A_470 = arith.constant 0 : i32
    %dma_wait3A_471 = tpu.memref_slice %arg3[%dma_wait3A_469, %dma_wait3A_470] : memref<100000x128xf32, #tpu.memory_space<hbm>> -> memref<100000x128xf32, #tpu.memory_space<hbm>>
    %dma_wait3A_472 = tpu.memref_slice %arg8[%dma_wait3A_461] : memref<5x!tpu.dma_semaphore, #tpu.memory_space<semaphore_mem>> -> memref<1x!tpu.dma_semaphore, #tpu.memory_space<semaphore_mem>>
    %dma_wait3A_473 = tpu.memref_squeeze %dma_wait3A_472 : memref<1x!tpu.dma_semaphore, #tpu.memory_space<semaphore_mem>> -> memref<!tpu.dma_semaphore, #tpu.memory_space<semaphore_mem>>
    tpu.wait_indirect_dma semaphore(%dma_wait3A_473 : memref<!tpu.dma_semaphore, #tpu.memory_space<semaphore_mem>>) src(%dma_wait3A_471 : memref<100000x128xf32, #tpu.memory_space<hbm>>) dst(%dma_wait3A_465 : memref<128x128xf32, #tpu.memory_space<vmem>>)
    %add3A_474 = arith.constant 5888 : i32
    %add3A_475 = arith.addi %mul3A_2, %add3A_474 : i32
    %dma_start3A_476 = arith.constant 1 : i32
    %dma_start3A_477 = arith.constant 1 : i32
    %dma_start3A_478 = arith.constant 0 : i32
    %dma_start3A_479 = arith.constant 0 : i32
    %dma_start3A_480 = tpu.memref_slice %arg6[%dma_start3A_476, %dma_start3A_478, %dma_start3A_479] : memref<5x128x128xf32, #tpu.memory_space<vmem>> -> memref<1x128x128xf32, #tpu.memory_space<vmem>>
    %dma_start3A_481 = tpu.memref_squeeze %dma_start3A_480 : memref<1x128x128xf32, #tpu.memory_space<vmem>> -> memref<128x128xf32, #tpu.memory_space<vmem>>
    %dma_start3A_482 = arith.constant 0 : i32
    %dma_start3A_483 = tpu.memref_slice %arg4[%add3A_475, %dma_start3A_482] : memref<204800x128xf32, #tpu.memory_space<hbm>> -> memref<128x128xf32, #tpu.memory_space<hbm>>
    %dma_start3A_484 = tpu.memref_slice %arg9[%dma_start3A_477] : memref<5x!tpu.dma_semaphore, #tpu.memory_space<semaphore_mem>> -> memref<1x!tpu.dma_semaphore, #tpu.memory_space<semaphore_mem>>
    %dma_start3A_485 = tpu.memref_squeeze %dma_start3A_484 : memref<1x!tpu.dma_semaphore, #tpu.memory_space<semaphore_mem>> -> memref<!tpu.dma_semaphore, #tpu.memory_space<semaphore_mem>>
    %dma_start3A_486 = arith.constant 0 : i32
    %dma_start3A_487 = tpu.memref_slice %arg4[%add3A_475, %dma_start3A_486] : memref<204800x128xf32, #tpu.memory_space<hbm>> -> memref<128x128xf32, #tpu.memory_space<hbm>>
    %dma_start3A_488 = arith.constant 0 : i32
    %dma_start3A_489 = arith.constant 0 : i32
    %dma_start3A_490 = tpu.memref_slice %arg6[%dma_start3A_476, %dma_start3A_488, %dma_start3A_489] : memref<5x128x128xf32, #tpu.memory_space<vmem>> -> memref<1x128x128xf32, #tpu.memory_space<vmem>>
    %dma_start3A_491 = tpu.memref_squeeze %dma_start3A_490 : memref<1x128x128xf32, #tpu.memory_space<vmem>> -> memref<128x128xf32, #tpu.memory_space<vmem>>
    tpu.enqueue_dma source(%dma_start3A_491 : memref<128x128xf32, #tpu.memory_space<vmem>>) target(%dma_start3A_487 : memref<128x128xf32, #tpu.memory_space<hbm>>) target_semaphore(%dma_start3A_485 : memref<!tpu.dma_semaphore, #tpu.memory_space<semaphore_mem>>)
    %add3A_492 = arith.constant 5760 : i32
    %add3A_493 = arith.addi %mul3A_2, %add3A_492 : i32
    %dma_wait3A_494 = arith.constant 0 : i32
    %dma_wait3A_495 = arith.constant 0 : i32
    %dma_wait3A_496 = arith.constant 0 : i32
    %dma_wait3A_497 = arith.constant 0 : i32
    %dma_wait3A_498 = tpu.memref_slice %arg6[%dma_wait3A_494, %dma_wait3A_496, %dma_wait3A_497] : memref<5x128x128xf32, #tpu.memory_space<vmem>> -> memref<1x128x128xf32, #tpu.memory_space<vmem>>
    %dma_wait3A_499 = tpu.memref_squeeze %dma_wait3A_498 : memref<1x128x128xf32, #tpu.memory_space<vmem>> -> memref<128x128xf32, #tpu.memory_space<vmem>>
    %dma_wait3A_500 = arith.constant 0 : i32
    %dma_wait3A_501 = tpu.memref_slice %arg4[%add3A_493, %dma_wait3A_500] : memref<204800x128xf32, #tpu.memory_space<hbm>> -> memref<128x128xf32, #tpu.memory_space<hbm>>
    %dma_wait3A_502 = tpu.memref_slice %arg9[%dma_wait3A_495] : memref<5x!tpu.dma_semaphore, #tpu.memory_space<semaphore_mem>> -> memref<1x!tpu.dma_semaphore, #tpu.memory_space<semaphore_mem>>
    %dma_wait3A_503 = tpu.memref_squeeze %dma_wait3A_502 : memref<1x!tpu.dma_semaphore, #tpu.memory_space<semaphore_mem>> -> memref<!tpu.dma_semaphore, #tpu.memory_space<semaphore_mem>>
    %dma_wait3A_504 = arith.constant 0 : i32
    %dma_wait3A_505 = tpu.memref_slice %arg4[%add3A_493, %dma_wait3A_504] : memref<204800x128xf32, #tpu.memory_space<hbm>> -> memref<128x128xf32, #tpu.memory_space<hbm>>
    %dma_wait3A_506 = arith.constant 0 : i32
    %dma_wait3A_507 = arith.constant 0 : i32
    %dma_wait3A_508 = tpu.memref_slice %arg6[%dma_wait3A_494, %dma_wait3A_506, %dma_wait3A_507] : memref<5x128x128xf32, #tpu.memory_space<vmem>> -> memref<1x128x128xf32, #tpu.memory_space<vmem>>
    %dma_wait3A_509 = tpu.memref_squeeze %dma_wait3A_508 : memref<1x128x128xf32, #tpu.memory_space<vmem>> -> memref<128x128xf32, #tpu.memory_space<vmem>>
    tpu.wait_dma2 semaphore(%dma_wait3A_503 : memref<!tpu.dma_semaphore, #tpu.memory_space<semaphore_mem>>) src(%dma_wait3A_509 : memref<128x128xf32, #tpu.memory_space<vmem>>) dst(%dma_wait3A_505 : memref<128x128xf32, #tpu.memory_space<hbm>>)
    %dma_wait3A_510 = arith.constant 47 : i32
    %dma_wait3A_511 = arith.constant 2 : i32
    %dma_wait3A_512 = arith.constant 2 : i32
    %dma_wait3A_513 = arith.constant 0 : i32
    %dma_wait3A_514 = arith.constant 0 : i32
    %dma_wait3A_515 = tpu.memref_slice %arg6[%dma_wait3A_511, %dma_wait3A_513, %dma_wait3A_514] : memref<5x128x128xf32, #tpu.memory_space<vmem>> -> memref<1x128x128xf32, #tpu.memory_space<vmem>>
    %dma_wait3A_516 = tpu.memref_squeeze %dma_wait3A_515 : memref<1x128x128xf32, #tpu.memory_space<vmem>> -> memref<128x128xf32, #tpu.memory_space<vmem>>
    %dma_wait3A_517 = arith.constant 0 : i32
    %dma_wait3A_518 = tpu.memref_slice %arg5[%dma_wait3A_510, %dma_wait3A_517] : memref<50x128xi32, #tpu.memory_space<vmem>> -> memref<1x128xi32, #tpu.memory_space<vmem>>
    %dma_wait3A_519 = tpu.memref_squeeze %dma_wait3A_518 : memref<1x128xi32, #tpu.memory_space<vmem>> -> memref<128xi32, #tpu.memory_space<vmem>>
    %dma_wait3A_520 = arith.constant 0 : i32
    %dma_wait3A_521 = arith.constant 0 : i32
    %dma_wait3A_522 = tpu.memref_slice %arg3[%dma_wait3A_520, %dma_wait3A_521] : memref<100000x128xf32, #tpu.memory_space<hbm>> -> memref<100000x128xf32, #tpu.memory_space<hbm>>
    %dma_wait3A_523 = tpu.memref_slice %arg8[%dma_wait3A_512] : memref<5x!tpu.dma_semaphore, #tpu.memory_space<semaphore_mem>> -> memref<1x!tpu.dma_semaphore, #tpu.memory_space<semaphore_mem>>
    %dma_wait3A_524 = tpu.memref_squeeze %dma_wait3A_523 : memref<1x!tpu.dma_semaphore, #tpu.memory_space<semaphore_mem>> -> memref<!tpu.dma_semaphore, #tpu.memory_space<semaphore_mem>>
    tpu.wait_indirect_dma semaphore(%dma_wait3A_524 : memref<!tpu.dma_semaphore, #tpu.memory_space<semaphore_mem>>) src(%dma_wait3A_522 : memref<100000x128xf32, #tpu.memory_space<hbm>>) dst(%dma_wait3A_516 : memref<128x128xf32, #tpu.memory_space<vmem>>)
    %add3A_525 = arith.constant 6016 : i32
    %add3A_526 = arith.addi %mul3A_2, %add3A_525 : i32
    %dma_start3A_527 = arith.constant 2 : i32
    %dma_start3A_528 = arith.constant 2 : i32
    %dma_start3A_529 = arith.constant 0 : i32
    %dma_start3A_530 = arith.constant 0 : i32
    %dma_start3A_531 = tpu.memref_slice %arg6[%dma_start3A_527, %dma_start3A_529, %dma_start3A_530] : memref<5x128x128xf32, #tpu.memory_space<vmem>> -> memref<1x128x128xf32, #tpu.memory_space<vmem>>
    %dma_start3A_532 = tpu.memref_squeeze %dma_start3A_531 : memref<1x128x128xf32, #tpu.memory_space<vmem>> -> memref<128x128xf32, #tpu.memory_space<vmem>>
    %dma_start3A_533 = arith.constant 0 : i32
    %dma_start3A_534 = tpu.memref_slice %arg4[%add3A_526, %dma_start3A_533] : memref<204800x128xf32, #tpu.memory_space<hbm>> -> memref<128x128xf32, #tpu.memory_space<hbm>>
    %dma_start3A_535 = tpu.memref_slice %arg9[%dma_start3A_528] : memref<5x!tpu.dma_semaphore, #tpu.memory_space<semaphore_mem>> -> memref<1x!tpu.dma_semaphore, #tpu.memory_space<semaphore_mem>>
    %dma_start3A_536 = tpu.memref_squeeze %dma_start3A_535 : memref<1x!tpu.dma_semaphore, #tpu.memory_space<semaphore_mem>> -> memref<!tpu.dma_semaphore, #tpu.memory_space<semaphore_mem>>
    %dma_start3A_537 = arith.constant 0 : i32
    %dma_start3A_538 = tpu.memref_slice %arg4[%add3A_526, %dma_start3A_537] : memref<204800x128xf32, #tpu.memory_space<hbm>> -> memref<128x128xf32, #tpu.memory_space<hbm>>
    %dma_start3A_539 = arith.constant 0 : i32
    %dma_start3A_540 = arith.constant 0 : i32
    %dma_start3A_541 = tpu.memref_slice %arg6[%dma_start3A_527, %dma_start3A_539, %dma_start3A_540] : memref<5x128x128xf32, #tpu.memory_space<vmem>> -> memref<1x128x128xf32, #tpu.memory_space<vmem>>
    %dma_start3A_542 = tpu.memref_squeeze %dma_start3A_541 : memref<1x128x128xf32, #tpu.memory_space<vmem>> -> memref<128x128xf32, #tpu.memory_space<vmem>>
    tpu.enqueue_dma source(%dma_start3A_542 : memref<128x128xf32, #tpu.memory_space<vmem>>) target(%dma_start3A_538 : memref<128x128xf32, #tpu.memory_space<hbm>>) target_semaphore(%dma_start3A_536 : memref<!tpu.dma_semaphore, #tpu.memory_space<semaphore_mem>>)
    %add3A_543 = arith.constant 5888 : i32
    %add3A_544 = arith.addi %mul3A_2, %add3A_543 : i32
    %dma_wait3A_545 = arith.constant 1 : i32
    %dma_wait3A_546 = arith.constant 1 : i32
    %dma_wait3A_547 = arith.constant 0 : i32
    %dma_wait3A_548 = arith.constant 0 : i32
    %dma_wait3A_549 = tpu.memref_slice %arg6[%dma_wait3A_545, %dma_wait3A_547, %dma_wait3A_548] : memref<5x128x128xf32, #tpu.memory_space<vmem>> -> memref<1x128x128xf32, #tpu.memory_space<vmem>>
    %dma_wait3A_550 = tpu.memref_squeeze %dma_wait3A_549 : memref<1x128x128xf32, #tpu.memory_space<vmem>> -> memref<128x128xf32, #tpu.memory_space<vmem>>
    %dma_wait3A_551 = arith.constant 0 : i32
    %dma_wait3A_552 = tpu.memref_slice %arg4[%add3A_544, %dma_wait3A_551] : memref<204800x128xf32, #tpu.memory_space<hbm>> -> memref<128x128xf32, #tpu.memory_space<hbm>>
    %dma_wait3A_553 = tpu.memref_slice %arg9[%dma_wait3A_546] : memref<5x!tpu.dma_semaphore, #tpu.memory_space<semaphore_mem>> -> memref<1x!tpu.dma_semaphore, #tpu.memory_space<semaphore_mem>>
    %dma_wait3A_554 = tpu.memref_squeeze %dma_wait3A_553 : memref<1x!tpu.dma_semaphore, #tpu.memory_space<semaphore_mem>> -> memref<!tpu.dma_semaphore, #tpu.memory_space<semaphore_mem>>
    %dma_wait3A_555 = arith.constant 0 : i32
    %dma_wait3A_556 = tpu.memref_slice %arg4[%add3A_544, %dma_wait3A_555] : memref<204800x128xf32, #tpu.memory_space<hbm>> -> memref<128x128xf32, #tpu.memory_space<hbm>>
    %dma_wait3A_557 = arith.constant 0 : i32
    %dma_wait3A_558 = arith.constant 0 : i32
    %dma_wait3A_559 = tpu.memref_slice %arg6[%dma_wait3A_545, %dma_wait3A_557, %dma_wait3A_558] : memref<5x128x128xf32, #tpu.memory_space<vmem>> -> memref<1x128x128xf32, #tpu.memory_space<vmem>>
    %dma_wait3A_560 = tpu.memref_squeeze %dma_wait3A_559 : memref<1x128x128xf32, #tpu.memory_space<vmem>> -> memref<128x128xf32, #tpu.memory_space<vmem>>
    tpu.wait_dma2 semaphore(%dma_wait3A_554 : memref<!tpu.dma_semaphore, #tpu.memory_space<semaphore_mem>>) src(%dma_wait3A_560 : memref<128x128xf32, #tpu.memory_space<vmem>>) dst(%dma_wait3A_556 : memref<128x128xf32, #tpu.memory_space<hbm>>)
    %dma_wait3A_561 = arith.constant 48 : i32
    %dma_wait3A_562 = arith.constant 3 : i32
    %dma_wait3A_563 = arith.constant 3 : i32
    %dma_wait3A_564 = arith.constant 0 : i32
    %dma_wait3A_565 = arith.constant 0 : i32
    %dma_wait3A_566 = tpu.memref_slice %arg6[%dma_wait3A_562, %dma_wait3A_564, %dma_wait3A_565] : memref<5x128x128xf32, #tpu.memory_space<vmem>> -> memref<1x128x128xf32, #tpu.memory_space<vmem>>
    %dma_wait3A_567 = tpu.memref_squeeze %dma_wait3A_566 : memref<1x128x128xf32, #tpu.memory_space<vmem>> -> memref<128x128xf32, #tpu.memory_space<vmem>>
    %dma_wait3A_568 = arith.constant 0 : i32
    %dma_wait3A_569 = tpu.memref_slice %arg5[%dma_wait3A_561, %dma_wait3A_568] : memref<50x128xi32, #tpu.memory_space<vmem>> -> memref<1x128xi32, #tpu.memory_space<vmem>>
    %dma_wait3A_570 = tpu.memref_squeeze %dma_wait3A_569 : memref<1x128xi32, #tpu.memory_space<vmem>> -> memref<128xi32, #tpu.memory_space<vmem>>
    %dma_wait3A_571 = arith.constant 0 : i32
    %dma_wait3A_572 = arith.constant 0 : i32
    %dma_wait3A_573 = tpu.memref_slice %arg3[%dma_wait3A_571, %dma_wait3A_572] : memref<100000x128xf32, #tpu.memory_space<hbm>> -> memref<100000x128xf32, #tpu.memory_space<hbm>>
    %dma_wait3A_574 = tpu.memref_slice %arg8[%dma_wait3A_563] : memref<5x!tpu.dma_semaphore, #tpu.memory_space<semaphore_mem>> -> memref<1x!tpu.dma_semaphore, #tpu.memory_space<semaphore_mem>>
    %dma_wait3A_575 = tpu.memref_squeeze %dma_wait3A_574 : memref<1x!tpu.dma_semaphore, #tpu.memory_space<semaphore_mem>> -> memref<!tpu.dma_semaphore, #tpu.memory_space<semaphore_mem>>
    tpu.wait_indirect_dma semaphore(%dma_wait3A_575 : memref<!tpu.dma_semaphore, #tpu.memory_space<semaphore_mem>>) src(%dma_wait3A_573 : memref<100000x128xf32, #tpu.memory_space<hbm>>) dst(%dma_wait3A_567 : memref<128x128xf32, #tpu.memory_space<vmem>>)
    %add3A_576 = arith.constant 6144 : i32
    %add3A_577 = arith.addi %mul3A_2, %add3A_576 : i32
    %dma_start3A_578 = arith.constant 3 : i32
    %dma_start3A_579 = arith.constant 3 : i32
    %dma_start3A_580 = arith.constant 0 : i32
    %dma_start3A_581 = arith.constant 0 : i32
    %dma_start3A_582 = tpu.memref_slice %arg6[%dma_start3A_578, %dma_start3A_580, %dma_start3A_581] : memref<5x128x128xf32, #tpu.memory_space<vmem>> -> memref<1x128x128xf32, #tpu.memory_space<vmem>>
    %dma_start3A_583 = tpu.memref_squeeze %dma_start3A_582 : memref<1x128x128xf32, #tpu.memory_space<vmem>> -> memref<128x128xf32, #tpu.memory_space<vmem>>
    %dma_start3A_584 = arith.constant 0 : i32
    %dma_start3A_585 = tpu.memref_slice %arg4[%add3A_577, %dma_start3A_584] : memref<204800x128xf32, #tpu.memory_space<hbm>> -> memref<128x128xf32, #tpu.memory_space<hbm>>
    %dma_start3A_586 = tpu.memref_slice %arg9[%dma_start3A_579] : memref<5x!tpu.dma_semaphore, #tpu.memory_space<semaphore_mem>> -> memref<1x!tpu.dma_semaphore, #tpu.memory_space<semaphore_mem>>
    %dma_start3A_587 = tpu.memref_squeeze %dma_start3A_586 : memref<1x!tpu.dma_semaphore, #tpu.memory_space<semaphore_mem>> -> memref<!tpu.dma_semaphore, #tpu.memory_space<semaphore_mem>>
    %dma_start3A_588 = arith.constant 0 : i32
    %dma_start3A_589 = tpu.memref_slice %arg4[%add3A_577, %dma_start3A_588] : memref<204800x128xf32, #tpu.memory_space<hbm>> -> memref<128x128xf32, #tpu.memory_space<hbm>>
    %dma_start3A_590 = arith.constant 0 : i32
    %dma_start3A_591 = arith.constant 0 : i32
    %dma_start3A_592 = tpu.memref_slice %arg6[%dma_start3A_578, %dma_start3A_590, %dma_start3A_591] : memref<5x128x128xf32, #tpu.memory_space<vmem>> -> memref<1x128x128xf32, #tpu.memory_space<vmem>>
    %dma_start3A_593 = tpu.memref_squeeze %dma_start3A_592 : memref<1x128x128xf32, #tpu.memory_space<vmem>> -> memref<128x128xf32, #tpu.memory_space<vmem>>
    tpu.enqueue_dma source(%dma_start3A_593 : memref<128x128xf32, #tpu.memory_space<vmem>>) target(%dma_start3A_589 : memref<128x128xf32, #tpu.memory_space<hbm>>) target_semaphore(%dma_start3A_587 : memref<!tpu.dma_semaphore, #tpu.memory_space<semaphore_mem>>)
    %add3A_594 = arith.constant 6016 : i32
    %add3A_595 = arith.addi %mul3A_2, %add3A_594 : i32
    %dma_wait3A_596 = arith.constant 2 : i32
    %dma_wait3A_597 = arith.constant 2 : i32
    %dma_wait3A_598 = arith.constant 0 : i32
    %dma_wait3A_599 = arith.constant 0 : i32
    %dma_wait3A_600 = tpu.memref_slice %arg6[%dma_wait3A_596, %dma_wait3A_598, %dma_wait3A_599] : memref<5x128x128xf32, #tpu.memory_space<vmem>> -> memref<1x128x128xf32, #tpu.memory_space<vmem>>
    %dma_wait3A_601 = tpu.memref_squeeze %dma_wait3A_600 : memref<1x128x128xf32, #tpu.memory_space<vmem>> -> memref<128x128xf32, #tpu.memory_space<vmem>>
    %dma_wait3A_602 = arith.constant 0 : i32
    %dma_wait3A_603 = tpu.memref_slice %arg4[%add3A_595, %dma_wait3A_602] : memref<204800x128xf32, #tpu.memory_space<hbm>> -> memref<128x128xf32, #tpu.memory_space<hbm>>
    %dma_wait3A_604 = tpu.memref_slice %arg9[%dma_wait3A_597] : memref<5x!tpu.dma_semaphore, #tpu.memory_space<semaphore_mem>> -> memref<1x!tpu.dma_semaphore, #tpu.memory_space<semaphore_mem>>
    %dma_wait3A_605 = tpu.memref_squeeze %dma_wait3A_604 : memref<1x!tpu.dma_semaphore, #tpu.memory_space<semaphore_mem>> -> memref<!tpu.dma_semaphore, #tpu.memory_space<semaphore_mem>>
    %dma_wait3A_606 = arith.constant 0 : i32
    %dma_wait3A_607 = tpu.memref_slice %arg4[%add3A_595, %dma_wait3A_606] : memref<204800x128xf32, #tpu.memory_space<hbm>> -> memref<128x128xf32, #tpu.memory_space<hbm>>
    %dma_wait3A_608 = arith.constant 0 : i32
    %dma_wait3A_609 = arith.constant 0 : i32
    %dma_wait3A_610 = tpu.memref_slice %arg6[%dma_wait3A_596, %dma_wait3A_608, %dma_wait3A_609] : memref<5x128x128xf32, #tpu.memory_space<vmem>> -> memref<1x128x128xf32, #tpu.memory_space<vmem>>
    %dma_wait3A_611 = tpu.memref_squeeze %dma_wait3A_610 : memref<1x128x128xf32, #tpu.memory_space<vmem>> -> memref<128x128xf32, #tpu.memory_space<vmem>>
    tpu.wait_dma2 semaphore(%dma_wait3A_605 : memref<!tpu.dma_semaphore, #tpu.memory_space<semaphore_mem>>) src(%dma_wait3A_611 : memref<128x128xf32, #tpu.memory_space<vmem>>) dst(%dma_wait3A_607 : memref<128x128xf32, #tpu.memory_space<hbm>>)
    %dma_wait3A_612 = arith.constant 49 : i32
    %dma_wait3A_613 = arith.constant 4 : i32
    %dma_wait3A_614 = arith.constant 4 : i32
    %dma_wait3A_615 = arith.constant 0 : i32
    %dma_wait3A_616 = arith.constant 0 : i32
    %dma_wait3A_617 = tpu.memref_slice %arg6[%dma_wait3A_613, %dma_wait3A_615, %dma_wait3A_616] : memref<5x128x128xf32, #tpu.memory_space<vmem>> -> memref<1x128x128xf32, #tpu.memory_space<vmem>>
    %dma_wait3A_618 = tpu.memref_squeeze %dma_wait3A_617 : memref<1x128x128xf32, #tpu.memory_space<vmem>> -> memref<128x128xf32, #tpu.memory_space<vmem>>
    %dma_wait3A_619 = arith.constant 0 : i32
    %dma_wait3A_620 = tpu.memref_slice %arg5[%dma_wait3A_612, %dma_wait3A_619] : memref<50x128xi32, #tpu.memory_space<vmem>> -> memref<1x128xi32, #tpu.memory_space<vmem>>
    %dma_wait3A_621 = tpu.memref_squeeze %dma_wait3A_620 : memref<1x128xi32, #tpu.memory_space<vmem>> -> memref<128xi32, #tpu.memory_space<vmem>>
    %dma_wait3A_622 = arith.constant 0 : i32
    %dma_wait3A_623 = arith.constant 0 : i32
    %dma_wait3A_624 = tpu.memref_slice %arg3[%dma_wait3A_622, %dma_wait3A_623] : memref<100000x128xf32, #tpu.memory_space<hbm>> -> memref<100000x128xf32, #tpu.memory_space<hbm>>
    %dma_wait3A_625 = tpu.memref_slice %arg8[%dma_wait3A_614] : memref<5x!tpu.dma_semaphore, #tpu.memory_space<semaphore_mem>> -> memref<1x!tpu.dma_semaphore, #tpu.memory_space<semaphore_mem>>
    %dma_wait3A_626 = tpu.memref_squeeze %dma_wait3A_625 : memref<1x!tpu.dma_semaphore, #tpu.memory_space<semaphore_mem>> -> memref<!tpu.dma_semaphore, #tpu.memory_space<semaphore_mem>>
    tpu.wait_indirect_dma semaphore(%dma_wait3A_626 : memref<!tpu.dma_semaphore, #tpu.memory_space<semaphore_mem>>) src(%dma_wait3A_624 : memref<100000x128xf32, #tpu.memory_space<hbm>>) dst(%dma_wait3A_618 : memref<128x128xf32, #tpu.memory_space<vmem>>)
    %add3A_627 = arith.constant 6272 : i32
    %add3A_628 = arith.addi %mul3A_2, %add3A_627 : i32
    %dma_start3A_629 = arith.constant 4 : i32
    %dma_start3A_630 = arith.constant 4 : i32
    %dma_start3A_631 = arith.constant 0 : i32
    %dma_start3A_632 = arith.constant 0 : i32
    %dma_start3A_633 = tpu.memref_slice %arg6[%dma_start3A_629, %dma_start3A_631, %dma_start3A_632] : memref<5x128x128xf32, #tpu.memory_space<vmem>> -> memref<1x128x128xf32, #tpu.memory_space<vmem>>
    %dma_start3A_634 = tpu.memref_squeeze %dma_start3A_633 : memref<1x128x128xf32, #tpu.memory_space<vmem>> -> memref<128x128xf32, #tpu.memory_space<vmem>>
    %dma_start3A_635 = arith.constant 0 : i32
    %dma_start3A_636 = tpu.memref_slice %arg4[%add3A_628, %dma_start3A_635] : memref<204800x128xf32, #tpu.memory_space<hbm>> -> memref<128x128xf32, #tpu.memory_space<hbm>>
    %dma_start3A_637 = tpu.memref_slice %arg9[%dma_start3A_630] : memref<5x!tpu.dma_semaphore, #tpu.memory_space<semaphore_mem>> -> memref<1x!tpu.dma_semaphore, #tpu.memory_space<semaphore_mem>>
    %dma_start3A_638 = tpu.memref_squeeze %dma_start3A_637 : memref<1x!tpu.dma_semaphore, #tpu.memory_space<semaphore_mem>> -> memref<!tpu.dma_semaphore, #tpu.memory_space<semaphore_mem>>
    %dma_start3A_639 = arith.constant 0 : i32
    %dma_start3A_640 = tpu.memref_slice %arg4[%add3A_628, %dma_start3A_639] : memref<204800x128xf32, #tpu.memory_space<hbm>> -> memref<128x128xf32, #tpu.memory_space<hbm>>
    %dma_start3A_641 = arith.constant 0 : i32
    %dma_start3A_642 = arith.constant 0 : i32
    %dma_start3A_643 = tpu.memref_slice %arg6[%dma_start3A_629, %dma_start3A_641, %dma_start3A_642] : memref<5x128x128xf32, #tpu.memory_space<vmem>> -> memref<1x128x128xf32, #tpu.memory_space<vmem>>
    %dma_start3A_644 = tpu.memref_squeeze %dma_start3A_643 : memref<1x128x128xf32, #tpu.memory_space<vmem>> -> memref<128x128xf32, #tpu.memory_space<vmem>>
    tpu.enqueue_dma source(%dma_start3A_644 : memref<128x128xf32, #tpu.memory_space<vmem>>) target(%dma_start3A_640 : memref<128x128xf32, #tpu.memory_space<hbm>>) target_semaphore(%dma_start3A_638 : memref<!tpu.dma_semaphore, #tpu.memory_space<semaphore_mem>>)
    %add3A_645 = arith.constant 6144 : i32
    %add3A_646 = arith.addi %mul3A_2, %add3A_645 : i32
    %dma_wait3A_647 = arith.constant 3 : i32
    %dma_wait3A_648 = arith.constant 3 : i32
    %dma_wait3A_649 = arith.constant 0 : i32
    %dma_wait3A_650 = arith.constant 0 : i32
    %dma_wait3A_651 = tpu.memref_slice %arg6[%dma_wait3A_647, %dma_wait3A_649, %dma_wait3A_650] : memref<5x128x128xf32, #tpu.memory_space<vmem>> -> memref<1x128x128xf32, #tpu.memory_space<vmem>>
    %dma_wait3A_652 = tpu.memref_squeeze %dma_wait3A_651 : memref<1x128x128xf32, #tpu.memory_space<vmem>> -> memref<128x128xf32, #tpu.memory_space<vmem>>
    %dma_wait3A_653 = arith.constant 0 : i32
    %dma_wait3A_654 = tpu.memref_slice %arg4[%add3A_646, %dma_wait3A_653] : memref<204800x128xf32, #tpu.memory_space<hbm>> -> memref<128x128xf32, #tpu.memory_space<hbm>>
    %dma_wait3A_655 = tpu.memref_slice %arg9[%dma_wait3A_648] : memref<5x!tpu.dma_semaphore, #tpu.memory_space<semaphore_mem>> -> memref<1x!tpu.dma_semaphore, #tpu.memory_space<semaphore_mem>>
    %dma_wait3A_656 = tpu.memref_squeeze %dma_wait3A_655 : memref<1x!tpu.dma_semaphore, #tpu.memory_space<semaphore_mem>> -> memref<!tpu.dma_semaphore, #tpu.memory_space<semaphore_mem>>
    %dma_wait3A_657 = arith.constant 0 : i32
    %dma_wait3A_658 = tpu.memref_slice %arg4[%add3A_646, %dma_wait3A_657] : memref<204800x128xf32, #tpu.memory_space<hbm>> -> memref<128x128xf32, #tpu.memory_space<hbm>>
    %dma_wait3A_659 = arith.constant 0 : i32
    %dma_wait3A_660 = arith.constant 0 : i32
    %dma_wait3A_661 = tpu.memref_slice %arg6[%dma_wait3A_647, %dma_wait3A_659, %dma_wait3A_660] : memref<5x128x128xf32, #tpu.memory_space<vmem>> -> memref<1x128x128xf32, #tpu.memory_space<vmem>>
    %dma_wait3A_662 = tpu.memref_squeeze %dma_wait3A_661 : memref<1x128x128xf32, #tpu.memory_space<vmem>> -> memref<128x128xf32, #tpu.memory_space<vmem>>
    tpu.wait_dma2 semaphore(%dma_wait3A_656 : memref<!tpu.dma_semaphore, #tpu.memory_space<semaphore_mem>>) src(%dma_wait3A_662 : memref<128x128xf32, #tpu.memory_space<vmem>>) dst(%dma_wait3A_658 : memref<128x128xf32, #tpu.memory_space<hbm>>)
    %add3A_663 = arith.constant 6272 : i32
    %add3A_664 = arith.addi %mul3A_2, %add3A_663 : i32
    %dma_wait3A_665 = arith.constant 4 : i32
    %dma_wait3A_666 = arith.constant 4 : i32
    %dma_wait3A_667 = arith.constant 0 : i32
    %dma_wait3A_668 = arith.constant 0 : i32
    %dma_wait3A_669 = tpu.memref_slice %arg6[%dma_wait3A_665, %dma_wait3A_667, %dma_wait3A_668] : memref<5x128x128xf32, #tpu.memory_space<vmem>> -> memref<1x128x128xf32, #tpu.memory_space<vmem>>
    %dma_wait3A_670 = tpu.memref_squeeze %dma_wait3A_669 : memref<1x128x128xf32, #tpu.memory_space<vmem>> -> memref<128x128xf32, #tpu.memory_space<vmem>>
    %dma_wait3A_671 = arith.constant 0 : i32
    %dma_wait3A_672 = tpu.memref_slice %arg4[%add3A_664, %dma_wait3A_671] : memref<204800x128xf32, #tpu.memory_space<hbm>> -> memref<128x128xf32, #tpu.memory_space<hbm>>
    %dma_wait3A_673 = tpu.memref_slice %arg9[%dma_wait3A_666] : memref<5x!tpu.dma_semaphore, #tpu.memory_space<semaphore_mem>> -> memref<1x!tpu.dma_semaphore, #tpu.memory_space<semaphore_mem>>
    %dma_wait3A_674 = tpu.memref_squeeze %dma_wait3A_673 : memref<1x!tpu.dma_semaphore, #tpu.memory_space<semaphore_mem>> -> memref<!tpu.dma_semaphore, #tpu.memory_space<semaphore_mem>>
    %dma_wait3A_675 = arith.constant 0 : i32
    %dma_wait3A_676 = tpu.memref_slice %arg4[%add3A_664, %dma_wait3A_675] : memref<204800x128xf32, #tpu.memory_space<hbm>> -> memref<128x128xf32, #tpu.memory_space<hbm>>
    %dma_wait3A_677 = arith.constant 0 : i32
    %dma_wait3A_678 = arith.constant 0 : i32
    %dma_wait3A_679 = tpu.memref_slice %arg6[%dma_wait3A_665, %dma_wait3A_677, %dma_wait3A_678] : memref<5x128x128xf32, #tpu.memory_space<vmem>> -> memref<1x128x128xf32, #tpu.memory_space<vmem>>
    %dma_wait3A_680 = tpu.memref_squeeze %dma_wait3A_679 : memref<1x128x128xf32, #tpu.memory_space<vmem>> -> memref<128x128xf32, #tpu.memory_space<vmem>>
    tpu.wait_dma2 semaphore(%dma_wait3A_674 : memref<!tpu.dma_semaphore, #tpu.memory_space<semaphore_mem>>) src(%dma_wait3A_680 : memref<128x128xf32, #tpu.memory_space<vmem>>) dst(%dma_wait3A_676 : memref<128x128xf32, #tpu.memory_space<hbm>>)
    return
  }
}

</mosaic_0001>

<sc_bundles>
// kernel: kernel.3.cloned.1.call-start
scs
__scs_entry_jumppad:
0x0: {  	(pc) =	sbr.rel $0x88, $3  }
0x1: {  	(tag) =	ssettag $0x0;
	lr =	simm.s32 $0x1  }
0x2: {  	[smem:$0x3F9F] =	sst lr;
	_ =	strace $0xD0000000  }
0x3: {  	_ = 	snop  }
0x4: {  	_ = 	snop  }
0x5: {  	_ = 	snop  }
0x6: {  	_ = 	snop  }
0x7: {  	_ = 	snop  }
__scs_overlays_trampoline_lowered:
0x8: {  	[smem:$0x3FAE] =	sst s0  }
0x9: {  	[smem:$0x3FAF] =	sst s1  }
0xa: {  	[smem:$0x3FB0] =	sst s2  }
0xb: {  	[smem:$0x3FB1] =	sst s3  }
0xc: {  	[smem:$0x3FB2] =	sst s4  }
0xd: {  	[smem:$0x3FB3] =	sst s5  }
0xe: {  	[smem:$0x3FB4] =	sst s6  }
0xf: {  	[smem:$0x3FB5] =	sst s7  }
0x10: {  	[smem:$0x3FB6] =	sst s8  }
0x11: {  	[smem:$0x3FB7] =	sst s9;
	s0 =	simm.s32 @!p0 $0x0  }
0x12: {  	s1 =	sld [smem:$0x3F9D];
	s0 =	simm.s32 @p0 $0x1  }
0x13: {  	[smem:$0x3FB8] =	sst s0;
	s0 =	simm.s32 @!p1 $0x0  }
0x14: {  	s2 =	sld [smem:$0x3F9C];
	s0 =	simm.s32 @p1 $0x1  }
0x15: {  	[smem:$0x3FB9] =	sst s0;
	s0 =	simm.s32 @!p2 $0x0  }
0x16: {  	s3 =	sld [smem:$0x3FDB];
	s0 =	simm.s32 @p2 $0x1  }
0x17: {  	s4 =	simm.s32 $0x1BF5;
	[smem:$0x3FBB] =	sst s0  }
0x18: {  	s0 =	sld [smem:$0x3F9E];
	_ =	swait.ge [sflag:s4], $0x0  }
0x19: {  	s7 =	sld [smem:$0x3F9F]  }
0x1a: {  	s8 =	sadd.s32 $0xFFFFE003, lr  }
0x1b: {  	s9 =	sadd.s32 $0xFFFFFEF7, lr;
	s5 =	simm.s32 $0xFFFFFFFF;
	p2 =	slt.u32 s8, $0xFFFFF086  }
0x1c: {  	p1 =	slt.u32 s9, $0xF7A;
	s5 =	simm.s32 @!p2 $0x0  }
0x1d: {  	s5 =	simm.s32 @p1 $0x1;
	p0 =	seq.s32 s7, s2  }
0x1e: {  	s7 =	smul.u32 @!p0 $0xF7A, s2;
	p2 =	seq.s32 @!p0 s5, $0x0  }
0x1f: {  	s9 =	smul.u32 $0xF7A, s1;
	s8 =	simm.s32 @!p0 $0x1BF5;
	p2 =	por !p2, p0  }
0x20: {  	[sflag:s8] =	ssyncset.s32 @!p0 $0xFFFFF086;
	s6 =	sadd.s32 @!p0 s3, s7;
	s7 =	simm.s32 @!p0 $0x108  }
0x21: {  	s3 =	sadd.s32 s3, s9;
	s6 =	sadd.s32 @!p0 $0x88, s6;
	s7 =	simm.s32 @p2 $0x1082  }
0x22: {  	[simem:s7], [sflag:s8] =	dma.local @!p0 [hbm:s6], $0xF7A  }
0x23: {  	s9 =	sor.u32 $0xD0000000, s2;
	s6 =	simm.s32 $0x108;
	_ =	swait.ge @!p0 [sflag:s8], $0x0  }
0x24: {  	s3 =	sadd.s32 $0x88, s3;
	s6 =	simm.s32 @!p1 $0x1082;
	[sflag:s4] =	ssyncset.s32 $0xFFFFF086  }
0x25: {  	[simem:s6], [sflag:s4] =	dma.local [hbm:s3], $0xF7A  }
0x26: {  	[smem:$0x3F9F] =	sst s1;
	(tag) =	ssettag s2;
	_ =	strace s9  }
0x27: {  	s1 =	sld [smem:$0x3FAF]  }
0x28: {  	s2 =	sld [smem:$0x3FB0]  }
0x29: {  	s4 =	sld [smem:$0x3FB2]  }
0x2a: {  	p0 =	seq.s32 s5, $0x0;
	s5 =	sld [smem:$0x3FB3]  }
0x2b: {  	s6 =	sld [smem:$0x3FB4]  }
0x2c: {  	s7 =	sld [smem:$0x3FB5]  }
0x2d: {  	s3 =	simm.s32 $0x108;
	s8 =	sld [smem:$0x3FB6]  }
0x2e: {  	s3 =	simm.s32 @!p0 $0x1082;
	s9 =	sld [smem:$0x3FB7]  }
0x2f: {  	lr =	sadd.s32 s0, s3;
	s0 =	sld [smem:$0x3FAE]  }
0x30: {  	s3 =	sld [smem:$0x3FB1]  }
0x31: {  	[smem:$0x3FBA] =	sst s10  }
0x32: {  	s10 =	sld [smem:$0x3FB8];
	_ =	sdelay $0x3  }
0x33: {  	p0 =	seq.s32 s10, $0x1;
	s10 =	sld [smem:$0x3FBA];
	_ =	sdelay $0x3  }
0x34: {  	[smem:$0x3FBA] =	sst s10  }
0x35: {  	s10 =	sld [smem:$0x3FB9];
	_ =	sdelay $0x3  }
0x36: {  	p1 =	seq.s32 s10, $0x1;
	s10 =	sld [smem:$0x3FBA];
	_ =	sdelay $0x3  }
0x37: {  	[smem:$0x3FBA] =	sst s10  }
0x38: {  	s10 =	sld [smem:$0x3FBB]  }
0x39: {  	_ = 	snop;
	(pc) =	sbr.ind lr, $3  }
0x3a: {  	_ = 	snop  }
0x3b: {  	_ = 	snop  }
0x3c: {  	p2 =	seq.s32 s10, $0x1;
	s10 =	sld [smem:$0x3FBA]  }
0x3d: {  	_ =	shalt  }
0x3e: {  	_ =	shalt  }
0x3f: {  	_ =	shalt  }
0x40: {  	_ =	shalt  }
0x41: {  	_ =	shalt  }
0x42: {  	_ =	shalt  }
0x43: {  	_ =	shalt  }
0x44: {  	_ =	shalt  }
0x45: {  	_ =	shalt  }
0x46: {  	_ =	shalt  }
0x47: {  	_ =	shalt  }
0x48: {  	_ =	shalt  }
0x49: {  	_ =	shalt  }
0x4a: {  	_ =	shalt  }
0x4b: {  	_ =	shalt  }
0x4c: {  	_ =	shalt  }
0x4d: {  	_ =	shalt  }
0x4e: {  	_ =	shalt  }
0x4f: {  	_ =	shalt  }
0x50: {  	_ =	shalt  }
0x51: {  	_ =	shalt  }
0x52: {  	_ =	shalt  }
0x53: {  	_ =	shalt  }
0x54: {  	_ =	shalt  }
0x55: {  	_ =	shalt  }
0x56: {  	_ =	shalt  }
0x57: {  	_ =	shalt  }
0x58: {  	_ =	shalt  }
0x59: {  	_ =	shalt  }
0x5a: {  	_ =	shalt  }
0x5b: {  	_ =	shalt  }
0x5c: {  	_ =	shalt  }
0x5d: {  	_ =	shalt  }
0x5e: {  	_ =	shalt  }
0x5f: {  	_ =	shalt  }
0x60: {  	_ =	shalt  }
0x61: {  	_ =	shalt  }
0x62: {  	_ =	shalt  }
0x63: {  	_ =	shalt  }
0x64: {  	_ =	shalt  }
0x65: {  	_ =	shalt  }
0x66: {  	_ =	shalt  }
0x67: {  	_ =	shalt  }
0x68: {  	_ =	shalt  }
0x69: {  	_ =	shalt  }
0x6a: {  	_ =	shalt  }
0x6b: {  	_ =	shalt  }
0x6c: {  	_ =	shalt  }
0x6d: {  	_ =	shalt  }
0x6e: {  	_ =	shalt  }
0x6f: {  	_ =	shalt  }
0x70: {  	_ =	shalt  }
0x71: {  	_ =	shalt  }
0x72: {  	_ =	shalt  }
0x73: {  	_ =	shalt  }
0x74: {  	_ =	shalt  }
0x75: {  	_ =	shalt  }
0x76: {  	_ =	shalt  }
0x77: {  	_ =	shalt  }
0x78: {  	_ =	shalt  }
0x79: {  	_ =	shalt  }
0x7a: {  	_ =	shalt  }
0x7b: {  	_ =	shalt  }
0x7c: {  	_ =	shalt  }
0x7d: {  	_ =	shalt  }
0x7e: {  	_ =	shalt  }
0x7f: {  	_ =	shalt  }
0x80: {  	_ =	shalt  }
0x81: {  	_ =	shalt  }
0x82: {  	_ =	shalt  }
0x83: {  	_ =	shalt  }
0x84: {  	_ =	shalt  }
0x85: {  	_ =	shalt  }
0x86: {  	_ =	shalt  }
0x87: {  	_ =	shalt  }
.Lfunc_end0:
.L_simem_size_0:
called_computation_lowered:
.L_overlay_start_0:
0x88: {  	s2 =	sld [smem:$0x3FD9]  }
0x89: {  	s3 =	sld [smem:$0x3FFE];
	_ =	sdelay $0x1  }
0x8a: {  	s1 =	srdreg.scid  }
0x8b: {  	s0 =	sand.u32 $0x1, s1  }
0x8c: {  	s17 =	sshll.u32 s0, $0xA;
	s2 =	sadd.s32 s3, s2  }
0x8d: {  	s2 =	sadd.s32 s2, s17  }
0x8e: {  	[smem:$0x3FC6] =	sst s2  }
0x8f: {  	_ = 	snop  }
0x90: {  	s2 =	sld [smem:$0x3FC8]  }
0x91: {  	s18 =	sld [smem:$0x3FD0];
	(tm) =	ssettm $0x1  }
0x92: {  	s4 =	sld [smem:$0x3FFB];
	_ =	sdelay $0x3  }
0x93: {  	_ =	strace s4  }
0x94: {  	s4 =	sld [smem:$0x3FFC];
	_ =	sdelay $0x3  }
0x95: {  	_ =	strace s4  }
0x96: {  	s4 =	sld [smem:$0x3FFD];
	_ =	sdelay $0x3  }
0x97: {  	_ =	strace s4  }
0x98: {  	_ =	strace $0x8FFFFFFF  }
0x99: {  	s19 =	sld [smem:$0x3FDB];
	_ =	sdelay $0x1  }
0x9a: {  	s5 =	simm.s32 $_scs_section_size  }
0x9b: {  	s6 =	simm.s32 $_size__tile_overlayer_lowered;
	s7 =	simm.s32 $_tile_overlayer_lowered  }
0x9c: {  	s22 =	simm.s32 $0x1BFF;
	s21 =	sshll.u32 s7, $0x1;
	s4 =	sadd.s32 s5, s19  }
0x9d: {  	s8 =	simm.s32 $0x0;
	s20 =	sshll.u32 s6, $0x1;
	s6 =	sadd.s32 s21, s4  }
0x9e: {  	[timem:s8], [sflag:s22] =	dma.local [hbm:s6], s20  }
0x9f: {  	_ =	swait.ge [sflag:s22], s20  }
0xa0: {  	s5 =	ssub.s32 $0x0, s20;
	[sflag:s22] =	ssyncset.done $0x0  }
0xa1: {  	[sflag:s22] =	ssyncadd.s32 s5;
	_ =	sdelay $0x1  }
0xa2: {  	s23 =	simm.s32 $0x1B8B  }
0xa3: {  	_ =	swait.ge [sflag:s23], $0x1  }
0xa4: {  	[sflag:s23] =	ssyncset.done $0x0  }
0xa5: {  	s25 =	simm.s32 $0x1B8E;
	s24 =	sld [smem:$0x3FFE];
	[sflag:s23] =	ssyncadd.s32 $0xFFFFFFFF  }
0xa6: {  	s26 =	simm.s32 $execute0_lowered;
	[smem:$0x3FD2] =	sst s25  }
0xa7: {  	s6 =	sshll.u32 s26, $0x1;
	_ =	strace $0x80000046;
	[dreg:$0x1] =	wrdreg $0xFFFFFFFF  }
0xa8: {  	s28 =	simm.s32 $_size_execute0_lowered;
	s4 =	sadd.s32 s4, s6;
	[dreg:$0x0] =	wrdreg $0x0  }
0xa9: {  	s6 =	sshll.u32 s28, $0x1;
	[dreg:$0x2] =	wrdreg s4  }
0xaa: {  	[dreg:$0x3] =	wrdreg s6  }
0xab: {  	[dreg:$0x4] =	wrdreg $0xC0  }
0xac: {  	_ =	task [dreg:s8], $0x5FFFF  }
0xad: {  	[dreg:$0x1] =	wrdreg $0xFFFFFFFF  }
0xae: {  	[dreg:$0x0] =	wrdreg $0x60  }
0xaf: {  	[dreg:$0x2] =	wrdreg s24  }
0xb0: {  	[dreg:$0x3] =	wrdreg s2  }
0xb1: {  	[dreg:$0x4] =	wrdreg s18  }
0xb2: {  	[dreg:$0x5] =	wrdreg $0x9  }
0xb3: {  	_ =	task.clear_ibuf [dreg:s8], $0x6FFFF;
	_ =	strace $0x90000046  }
0xb4: {  	s29 =	simm.s32 $0x9;
	_ =	strace $0x80000048  }
0xb5: {  	_ =	swait.ge [sflag:s29], $0x1  }
0xb6: {  	[sflag:s29] =	ssyncadd.s32 $0xFFFFFFFF  }
0xb7: {  	_ =	strace $0x90000048  }
0xb8: {  	_ =	sfence  }
0xb9: {  	s30 =	sld [smem:$0x0];
	_ =	sdelay $0x2  }
0xba: {  	s31 =	sshll.u32 s1, $0xD;
	s1 =	sshrl.u32 s1, $0x2  }
0xbb: {  	s3 =	sand.u32 $0x4000, s31;
	s1 =	sadd.s32 s1, s30  }
0xbc: {  	s0 =	sor.u32 s3, s0;
	s1 =	sshll.u32 s1, $0x11  }
0xbd: {  	s0 =	sor.u32 s1, s0  }
0xbe: {  	s0 =	sadd.s32 $0x8F2B, s0  }
0xbf: {  	[sflag:s0] =	ssyncadd.remote.s32 $0x1  }
0xc0: {  	_ =	sfence.sel $0xFFFF  }
0xc1: {  	[dreg:$0x0] =	wrdreg $0xFFFFFFFF;
	(pc) =	sbr.abs _section_cstart, $3  }
0xc2: {  	[dreg:$0x1] =	wrdreg $0xFFFFFFFF  }
0xc3: {  	_ =	task.clear_ibuf [dreg:s8], $0x2FFFF;
	_ =	strace $0x9FFFFFFF  }
0xc4: {  	(tm) =	ssettm $0x7FFFFFFF  }
0xc5: {  	_ =	shalt  }
tec
execute0_lowered:
.L_overlay_start_1:
0x0: {  	(tag) =	ssettag $0x1  }
0x1: {  	s0 =	rddreg [dreg:$0x0];
	s1 =	srdreg.scid  }
0x2: {  	s9 =	stileid.u32;
	s2 =	rddreg [dreg:$0x1]  }
0x3: {  	s5 =	rddreg [dreg:$0x2];
	s17 =	simm.s32 $0x1;
	s18 =	simm.s32 $0x80  }
0x4: {  	s19 =	simm.s32 $0x1C00;
	s28 =	simm.s32 $0x2;
	s29 =	simm.s32 $0x3  }
0x5: {  	s1 =	sand.u32 $0x1, s1;
	s3 =	sshll.u32 s9, $0x1;
	s25 =	smul.u32 $0x32000, s9  }
0x6: {  	s4 =	sor.u32 s1, s3;
	s8 =	ssub.s32 $0x2, s1;
	s1 =	smul.u32 $0x19000, s1  }
0x7: {  	s30 =	simm.s32 $0x7;
	s3 =	simm.s32 $0x0;
	s6 =	smul.u32 $0x380, s4  }
0x8: {  	s31 =	simm.s32 $0xA;
	[smem:$0x7FF] =	sst s3;
	s7 =	smul.u32 $0xC8000, s4  }
0x9: {  	s4 =	smul.u32 $0x19000, s4;
	s20 =	sshrl.u32 s8, $0x1;
	_ =	strace $0x80000047  }
0xa: {  	s0 =	sadd.s32 s6, s0;
	s7 =	sshrl.u32 s7, $0x3;
	s6 =	ssub.s32 s8, s20  }
0xb: {  	s4 =	sadd.s32 s5, s4;
	s20 =	simm.s32 $0x5C00;
	s0 =	sadd.s32 $0x400, s0  }
0xc: {  	s7 =	sadd.s32 s5, s7;
	s21 =	sadd.s32 $0x800, s4;
	[dreg:$0x4] =	wrdreg s0  }
0xd: {  	s15 =	smax.u32 s6, $0x1;
	s6 =	simm.s32 $0x0;
	[dreg:$0x5] =	wrdreg s21  }
0xe: {  	s22 =	sadd.s32 $0x1000, s7;
	s23 =	sadd.s32 $0x1800, s7;
	s24 =	sadd.s32 $0x2000, s7  }
0xf: {  	s26 =	sadd.s32 $0x16800, s7;
	s11 =	sadd.s32 $0x17000, s7;
	s12 =	sadd.s32 $0x17800, s7  }
0x10: {  	s13 =	sadd.s32 $0x18000, s7;
	s0 =	sadd.s32 s25, s5;
	[dreg:$0x6] =	wrdreg s22  }
0x11: {  	s14 =	sadd.s32 $0x18800, s7;
	s25 =	simm.s32 $0x9;
	[dreg:$0x7] =	wrdreg s23  }
0x12: {  	s21 =	simm.s32 $0x6;
	s5 =	simm.s32 $0xB;
	[dreg:$0x8] =	wrdreg s24  }
0x13: {  	[dreg:$0x9] =	wrdreg s26;
	s0 =	sadd.s32 s1, s0;
	s22 =	simm.s32 $0x9C00  }
0x14: {  	s24 =	simm.s32 $0xDC00;
	s26 =	simm.s32 $0x11C00;
	s1 =	simm.s32 $0x4  }
0x15: {  	s23 =	simm.s32 $0x5;
	s16 =	sadd.s32 $0x4800, s0;
	s0 =	simm.s32 $0x8  }
.LBB2_1:
0x16: {  	s7 =	rddreg [dreg:$0x4]  }
0x17: {  	[tilespmem:s3], [sflag:$0x1] =	stream.linear.gather [hbm4b:s7+s3], $0x1900, $0x38;
	[tilespmem:$0x15C00] =	vst v63  }
0x18: {  	_ =	swait.ge [sflag:s17], $0x1900  }
0x19: {  	[sflag:s17] =	ssyncset.done $0x0  }
0x1a: {  	[sflag:s17] =	ssyncadd.s32 $0xFFFFE700  }
0x1b: {  	[tilespmem:s19], [sflag:$0x2] =	stream.indirect.gather [hbm4b:s2+s18], $0x80, s3, s18, $0xb8;
	[tilespmem:$0x15C00] =	vst v63  }
0x1c: {  	_ = 	snop  }
0x1d: {  	[tilespmem:s20], [sflag:$0x3] =	stream.indirect.gather [hbm4b:s2+s18], $0x80, s18, s18, $0xb8;
	[tilespmem:$0x15C00] =	vst v63  }
0x1e: {  	s10 =	simm.s32 $0x100  }
0x1f: {  	[tilespmem:s22], [sflag:$0x4] =	stream.indirect.gather [hbm4b:s2+s18], $0x80, s10, s18, $0xb8;
	[tilespmem:$0x15C00] =	vst v63  }
0x20: {  	s8 =	simm.s32 $0x180  }
0x21: {  	[tilespmem:s24], [sflag:$0x5] =	stream.indirect.gather [hbm4b:s2+s18], $0x80, s8, s18, $0xb8;
	[tilespmem:$0x15C00] =	vst v63  }
0x22: {  	s9 =	simm.s32 $0x200  }
0x23: {  	[tilespmem:s26], [sflag:$0x6] =	stream.indirect.gather [hbm4b:s2+s18], $0x80, s9, s18, $0xb8;
	[tilespmem:$0x15C00] =	vst v63  }
0x24: {  	_ =	swait.ge [sflag:s28], $0x4000  }
0x25: {  	[sflag:s28] =	ssyncset.done $0x0  }
0x26: {  	[sflag:s28] =	ssyncadd.s32 $0xFFFFC000  }
0x27: {  	[hbm4b:s4+s3] =	stream.linear.scatter [tilespmem:s19], [sflag:$0x7], $0x4000, $0x38;
	[tilespmem:$0x15C00] =	vst v63  }
0x28: {  	_ =	swait.ge [sflag:s29], $0x4000  }
0x29: {  	[sflag:s29] =	ssyncset.done $0x0  }
0x2a: {  	s10 =	rddreg [dreg:$0x5];
	[sflag:s29] =	ssyncadd.s32 $0xFFFFC000  }
0x2b: {  	[hbm4b:s10+s3] =	stream.linear.scatter [tilespmem:s20], [sflag:$0x8], $0x4000, $0x38;
	[tilespmem:$0x15C00] =	vst v63  }
0x2c: {  	_ =	swait.ge [sflag:s30], $0x4000  }
0x2d: {  	[sflag:s30] =	ssyncset.done $0x0  }
0x2e: {  	s8 =	simm.s32 $0x280;
	[sflag:s30] =	ssyncadd.s32 $0xFFFFC000  }
0x2f: {  	[tilespmem:s19], [sflag:$0x2] =	stream.indirect.gather [hbm4b:s2+s18], $0x80, s8, s18, $0xb8;
	[tilespmem:$0x15C00] =	vst v63  }
0x30: {  	_ =	swait.ge [sflag:s1], $0x4000  }
0x31: {  	[sflag:s1] =	ssyncset.done $0x0  }
0x32: {  	s9 =	rddreg [dreg:$0x6];
	[sflag:s1] =	ssyncadd.s32 $0xFFFFC000  }
0x33: {  	[hbm4b:s9+s3] =	stream.linear.scatter [tilespmem:s22], [sflag:$0x9], $0x4000, $0x38;
	[tilespmem:$0x15C00] =	vst v63  }
0x34: {  	_ =	swait.ge [sflag:s0], $0x4000  }
0x35: {  	[sflag:s0] =	ssyncset.done $0x0  }
0x36: {  	s10 =	simm.s32 $0x300;
	[sflag:s0] =	ssyncadd.s32 $0xFFFFC000  }
0x37: {  	[tilespmem:s20], [sflag:$0x3] =	stream.indirect.gather [hbm4b:s2+s18], $0x80, s10, s18, $0xb8;
	[tilespmem:$0x15C00] =	vst v63  }
0x38: {  	_ =	swait.ge [sflag:s23], $0x4000  }
0x39: {  	[sflag:s23] =	ssyncset.done $0x0  }
0x3a: {  	s8 =	rddreg [dreg:$0x7];
	[sflag:s23] =	ssyncadd.s32 $0xFFFFC000  }
0x3b: {  	[hbm4b:s8+s3] =	stream.linear.scatter [tilespmem:s24], [sflag:$0xA], $0x4000, $0x38;
	[tilespmem:$0x15C00] =	vst v63  }
0x3c: {  	_ =	swait.ge [sflag:s25], $0x4000  }
0x3d: {  	[sflag:s25] =	ssyncset.done $0x0  }
0x3e: {  	s9 =	simm.s32 $0x380;
	[sflag:s25] =	ssyncadd.s32 $0xFFFFC000  }
0x3f: {  	[tilespmem:s22], [sflag:$0x4] =	stream.indirect.gather [hbm4b:s2+s18], $0x80, s9, s18, $0xb8;
	[tilespmem:$0x15C00] =	vst v63  }
0x40: {  	_ =	swait.ge [sflag:s21], $0x4000  }
0x41: {  	[sflag:s21] =	ssyncset.done $0x0  }
0x42: {  	s10 =	rddreg [dreg:$0x8];
	[sflag:s21] =	ssyncadd.s32 $0xFFFFC000  }
0x43: {  	[hbm4b:s10+s3] =	stream.linear.scatter [tilespmem:s26], [sflag:$0xB], $0x4000, $0x38;
	[tilespmem:$0x15C00] =	vst v63  }
0x44: {  	_ =	swait.ge [sflag:s31], $0x4000  }
0x45: {  	[sflag:s31] =	ssyncset.done $0x0  }
0x46: {  	s8 =	simm.s32 $0x400;
	[sflag:s31] =	ssyncadd.s32 $0xFFFFC000  }
0x47: {  	[tilespmem:s24], [sflag:$0x5] =	stream.indirect.gather [hbm4b:s2+s18], $0x80, s8, s18, $0xb8;
	[tilespmem:$0x15C00] =	vst v63  }
0x48: {  	_ =	swait.ge [sflag:s28], $0x4000  }
0x49: {  	[sflag:s28] =	ssyncset.done $0x0  }
0x4a: {  	s9 =	sadd.s32 $0xFFFFE000, s16;
	[sflag:s28] =	ssyncadd.s32 $0xFFFFC000  }
0x4b: {  	[hbm4b:s9+s3] =	stream.linear.scatter [tilespmem:s19], [sflag:$0x7], $0x4000, $0x38;
	[tilespmem:$0x15C00] =	vst v63  }
0x4c: {  	_ =	swait.ge [sflag:s5], $0x4000  }
0x4d: {  	[sflag:s5] =	ssyncset.done $0x0  }
0x4e: {  	s10 =	simm.s32 $0x480;
	[sflag:s5] =	ssyncadd.s32 $0xFFFFC000  }
0x4f: {  	[tilespmem:s26], [sflag:$0x6] =	stream.indirect.gather [hbm4b:s2+s18], $0x80, s10, s18, $0xb8;
	[tilespmem:$0x15C00] =	vst v63  }
0x50: {  	_ =	swait.ge [sflag:s29], $0x4000  }
0x51: {  	[sflag:s29] =	ssyncset.done $0x0  }
0x52: {  	s8 =	sadd.s32 $0xFFFFE800, s16;
	[sflag:s29] =	ssyncadd.s32 $0xFFFFC000  }
0x53: {  	[hbm4b:s8+s3] =	stream.linear.scatter [tilespmem:s20], [sflag:$0x8], $0x4000, $0x38;
	[tilespmem:$0x15C00] =	vst v63  }
0x54: {  	_ =	swait.ge [sflag:s30], $0x4000  }
0x55: {  	[sflag:s30] =	ssyncset.done $0x0  }
0x56: {  	s9 =	simm.s32 $0x500;
	[sflag:s30] =	ssyncadd.s32 $0xFFFFC000  }
0x57: {  	[tilespmem:s19], [sflag:$0x2] =	stream.indirect.gather [hbm4b:s2+s18], $0x80, s9, s18, $0xb8;
	[tilespmem:$0x15C00] =	vst v63  }
0x58: {  	_ =	swait.ge [sflag:s1], $0x4000  }
0x59: {  	[sflag:s1] =	ssyncset.done $0x0  }
0x5a: {  	s10 =	sadd.s32 $0xFFFFF000, s16;
	[sflag:s1] =	ssyncadd.s32 $0xFFFFC000  }
0x5b: {  	[hbm4b:s10+s3] =	stream.linear.scatter [tilespmem:s22], [sflag:$0x9], $0x4000, $0x38;
	[tilespmem:$0x15C00] =	vst v63  }
0x5c: {  	_ =	swait.ge [sflag:s0], $0x4000  }
0x5d: {  	[sflag:s0] =	ssyncset.done $0x0  }
0x5e: {  	s8 =	simm.s32 $0x580;
	[sflag:s0] =	ssyncadd.s32 $0xFFFFC000  }
0x5f: {  	[tilespmem:s20], [sflag:$0x3] =	stream.indirect.gather [hbm4b:s2+s18], $0x80, s8, s18, $0xb8;
	[tilespmem:$0x15C00] =	vst v63  }
0x60: {  	_ =	swait.ge [sflag:s23], $0x4000  }
0x61: {  	[sflag:s23] =	ssyncset.done $0x0  }
0x62: {  	s9 =	sadd.s32 $0xFFFFF800, s16;
	[sflag:s23] =	ssyncadd.s32 $0xFFFFC000  }
0x63: {  	[hbm4b:s9+s3] =	stream.linear.scatter [tilespmem:s24], [sflag:$0xA], $0x4000, $0x38;
	[tilespmem:$0x15C00] =	vst v63  }
0x64: {  	_ =	swait.ge [sflag:s25], $0x4000  }
0x65: {  	[sflag:s25] =	ssyncset.done $0x0  }
0x66: {  	s10 =	simm.s32 $0x600;
	[sflag:s25] =	ssyncadd.s32 $0xFFFFC000  }
0x67: {  	[tilespmem:s22], [sflag:$0x4] =	stream.indirect.gather [hbm4b:s2+s18], $0x80, s10, s18, $0xb8;
	[tilespmem:$0x15C00] =	vst v63  }
0x68: {  	_ =	swait.ge [sflag:s21], $0x4000  }
0x69: {  	[sflag:s21] =	ssyncset.done $0x0  }
0x6a: {  	[sflag:s21] =	ssyncadd.s32 $0xFFFFC000  }
0x6b: {  	[hbm4b:s16+s3] =	stream.linear.scatter [tilespmem:s26], [sflag:$0xB], $0x4000, $0x38;
	[tilespmem:$0x15C00] =	vst v63  }
0x6c: {  	_ =	swait.ge [sflag:s31], $0x4000  }
0x6d: {  	s7 =	simm.s32 $0xA00;
	[sflag:s31] =	ssyncset.done $0x0  }
0x6e: {  	s8 =	sadd.s32 $0x2800, s16;
	s9 =	simm.s32 $0x680;
	[sflag:s31] =	ssyncadd.s32 $0xFFFFC000  }
.LBB2_2:
0x6f: {  	[tilespmem:s24], [sflag:$0x5] =	stream.indirect.gather [hbm4b:s2+s18], $0x80, s9, s18, $0xb8;
	[tilespmem:$0x15C00] =	vst v63  }
0x70: {  	s9 =	smov.u32 s7  }
0x71: {  	p0 =	sne.s32 s7, $0x4600;
	s7 =	sadd.s32 $0xA00, s7;
	_ =	swait.ge [sflag:s28], $0x4000  }
0x72: {  	[sflag:s28] =	ssyncset.done $0x0  }
0x73: {  	s10 =	sadd.s32 $0xFFFFE000, s8;
	[sflag:s28] =	ssyncadd.s32 $0xFFFFC000  }
0x74: {  	[hbm4b:s10+s3] =	stream.linear.scatter [tilespmem:s19], [sflag:$0x7], $0x4000, $0x38;
	[tilespmem:$0x15C00] =	vst v63  }
0x75: {  	_ =	swait.ge [sflag:s5], $0x4000  }
0x76: {  	s9 =	sshra.s32 s9, $0x2;
	[sflag:s5] =	ssyncset.done $0x0  }
0x77: {  	s10 =	sadd.s32 $0x480, s9;
	[sflag:s5] =	ssyncadd.s32 $0xFFFFC000  }
0x78: {  	[tilespmem:s26], [sflag:$0x6] =	stream.indirect.gather [hbm4b:s2+s18], $0x80, s10, s18, $0xb8;
	[tilespmem:$0x15C00] =	vst v63  }
0x79: {  	_ =	swait.ge [sflag:s29], $0x4000  }
0x7a: {  	[sflag:s29] =	ssyncset.done $0x0  }
0x7b: {  	s10 =	sadd.s32 $0xFFFFE800, s8;
	[sflag:s29] =	ssyncadd.s32 $0xFFFFC000  }
0x7c: {  	[hbm4b:s10+s3] =	stream.linear.scatter [tilespmem:s20], [sflag:$0x8], $0x4000, $0x38;
	[tilespmem:$0x15C00] =	vst v63  }
0x7d: {  	_ =	swait.ge [sflag:s30], $0x4000  }
0x7e: {  	[sflag:s30] =	ssyncset.done $0x0  }
0x7f: {  	s10 =	sadd.s32 $0x500, s9;
	[sflag:s30] =	ssyncadd.s32 $0xFFFFC000  }
0x80: {  	[tilespmem:s19], [sflag:$0x2] =	stream.indirect.gather [hbm4b:s2+s18], $0x80, s10, s18, $0xb8;
	[tilespmem:$0x15C00] =	vst v63  }
0x81: {  	_ =	swait.ge [sflag:s1], $0x4000  }
0x82: {  	[sflag:s1] =	ssyncset.done $0x0  }
0x83: {  	s10 =	sadd.s32 $0xFFFFF000, s8;
	[sflag:s1] =	ssyncadd.s32 $0xFFFFC000  }
0x84: {  	[hbm4b:s10+s3] =	stream.linear.scatter [tilespmem:s22], [sflag:$0x9], $0x4000, $0x38;
	[tilespmem:$0x15C00] =	vst v63  }
0x85: {  	_ =	swait.ge [sflag:s0], $0x4000  }
0x86: {  	[sflag:s0] =	ssyncset.done $0x0  }
0x87: {  	s10 =	sadd.s32 $0x580, s9;
	[sflag:s0] =	ssyncadd.s32 $0xFFFFC000  }
0x88: {  	[tilespmem:s20], [sflag:$0x3] =	stream.indirect.gather [hbm4b:s2+s18], $0x80, s10, s18, $0xb8;
	[tilespmem:$0x15C00] =	vst v63  }
0x89: {  	_ =	swait.ge [sflag:s23], $0x4000  }
0x8a: {  	[sflag:s23] =	ssyncset.done $0x0  }
0x8b: {  	s10 =	sadd.s32 $0xFFFFF800, s8;
	[sflag:s23] =	ssyncadd.s32 $0xFFFFC000  }
0x8c: {  	[hbm4b:s10+s3] =	stream.linear.scatter [tilespmem:s24], [sflag:$0xA], $0x4000, $0x38;
	[tilespmem:$0x15C00] =	vst v63  }
0x8d: {  	_ =	swait.ge [sflag:s25], $0x4000  }
0x8e: {  	[sflag:s25] =	ssyncset.done $0x0  }
0x8f: {  	s10 =	sadd.s32 $0x600, s9;
	[sflag:s25] =	ssyncadd.s32 $0xFFFFC000  }
0x90: {  	[tilespmem:s22], [sflag:$0x4] =	stream.indirect.gather [hbm4b:s2+s18], $0x80, s10, s18, $0xb8;
	[tilespmem:$0x15C00] =	vst v63  }
0x91: {  	_ =	swait.ge [sflag:s21], $0x4000  }
0x92: {  	[sflag:s21] =	ssyncset.done $0x0  }
.Ltmp0:
0x93: {  	[sflag:s21] =	ssyncadd.s32 $0xFFFFC000;
	(pc) =	sbr.rel @p0 .LBB2_2-.Ltmp0, $4  }
0x94: {  	[hbm4b:s8+s3] =	stream.linear.scatter [tilespmem:s26], [sflag:$0xB], $0x4000, $0x38;
	[tilespmem:$0x15C00] =	vst v63  }
0x95: {  	_ =	swait.ge [sflag:s31], $0x4000  }
0x96: {  	[sflag:s31] =	ssyncset.done $0x0  }
0x97: {  	s9 =	sadd.s32 $0x680, s9;
	s8 =	sadd.s32 $0x2800, s8;
	[sflag:s31] =	ssyncadd.s32 $0xFFFFC000  }
0x98: {  	[tilespmem:s24], [sflag:$0x5] =	stream.indirect.gather [hbm4b:s2+s18], $0x80, s9, s18, $0xb8;
	[tilespmem:$0x15C00] =	vst v63  }
0x99: {  	_ =	swait.ge [sflag:s28], $0x4000  }
0x9a: {  	[sflag:s28] =	ssyncset.done $0x0  }
0x9b: {  	s7 =	rddreg [dreg:$0x9];
	[sflag:s28] =	ssyncadd.s32 $0xFFFFC000  }
0x9c: {  	[hbm4b:s7+s3] =	stream.linear.scatter [tilespmem:s19], [sflag:$0x7], $0x4000, $0x38;
	[tilespmem:$0x15C00] =	vst v63  }
0x9d: {  	_ =	swait.ge [sflag:s5], $0x4000  }
0x9e: {  	[sflag:s5] =	ssyncset.done $0x0  }
0x9f: {  	s10 =	simm.s32 $0x1880;
	[sflag:s5] =	ssyncadd.s32 $0xFFFFC000  }
0xa0: {  	[tilespmem:s26], [sflag:$0x6] =	stream.indirect.gather [hbm4b:s2+s18], $0x80, s10, s18, $0xb8;
	[tilespmem:$0x15C00] =	vst v63  }
0xa1: {  	_ =	swait.ge [sflag:s29], $0x4000  }
0xa2: {  	[sflag:s29] =	ssyncset.done $0x0  }
0xa3: {  	[sflag:s29] =	ssyncadd.s32 $0xFFFFC000  }
0xa4: {  	[hbm4b:s11+s3] =	stream.linear.scatter [tilespmem:s20], [sflag:$0x8], $0x4000, $0x38;
	[tilespmem:$0x15C00] =	vst v63  }
0xa5: {  	_ =	swait.ge [sflag:s30], $0x4000  }
0xa6: {  	[sflag:s30] =	ssyncset.done $0x0  }
0xa7: {  	[sflag:s30] =	ssyncadd.s32 $0xFFFFC000  }
0xa8: {  	_ =	swait.ge [sflag:s1], $0x4000  }
0xa9: {  	[sflag:s1] =	ssyncset.done $0x0  }
0xaa: {  	[sflag:s1] =	ssyncadd.s32 $0xFFFFC000  }
0xab: {  	[hbm4b:s12+s3] =	stream.linear.scatter [tilespmem:s22], [sflag:$0x9], $0x4000, $0x38;
	[tilespmem:$0x15C00] =	vst v63  }
0xac: {  	_ =	swait.ge [sflag:s0], $0x4000  }
0xad: {  	[sflag:s0] =	ssyncset.done $0x0  }
0xae: {  	[sflag:s0] =	ssyncadd.s32 $0xFFFFC000  }
0xaf: {  	_ =	swait.ge [sflag:s23], $0x4000  }
0xb0: {  	[sflag:s23] =	ssyncset.done $0x0  }
0xb1: {  	[sflag:s23] =	ssyncadd.s32 $0xFFFFC000  }
0xb2: {  	[hbm4b:s13+s3] =	stream.linear.scatter [tilespmem:s24], [sflag:$0xA], $0x4000, $0x38;
	[tilespmem:$0x15C00] =	vst v63  }
0xb3: {  	_ =	swait.ge [sflag:s25], $0x4000  }
0xb4: {  	[sflag:s25] =	ssyncset.done $0x0  }
0xb5: {  	[sflag:s25] =	ssyncadd.s32 $0xFFFFC000  }
0xb6: {  	_ =	swait.ge [sflag:s21], $0x4000  }
0xb7: {  	[sflag:s21] =	ssyncset.done $0x0  }
0xb8: {  	s6 =	sadd.s32 $0x1, s6;
	[sflag:s21] =	ssyncadd.s32 $0xFFFFC000  }
0xb9: {  	[hbm4b:s14+s3] =	stream.linear.scatter [tilespmem:s26], [sflag:$0xB], $0x4000, $0x38;
	[tilespmem:$0x15C00] =	vst v63  }
0xba: {  	p0 =	sne.s32 s6, s15;
	_ =	swait.ge [sflag:s31], $0x4000  }
.Ltmp1:
0xbb: {  	[sflag:s31] =	ssyncset.done $0x0;
	(pc) =	sbr.rel @p0 .LBB2_1-.Ltmp1, $4  }
0xbc: {  	[sflag:s31] =	ssyncadd.s32 $0xFFFFC000  }
0xbd: {  	_ =	swait.ge [sflag:s5], $0x4000  }
0xbe: {  	[sflag:s5] =	ssyncset.done $0x0  }
0xbf: {  	[sflag:s5] =	ssyncadd.s32 $0xFFFFC000  }
0xc0: {  	_ =	sfence.sel $0x180000  }
0xc1: {  	[bflag:$0x0] =	sbarrier.arrive $0xFFFF  }
0xc2: {  	_ =	strace $0x90000047  }
0xc3: {  	s0 =	stileid.u32;
	[bflag:$0x2] =	sbarrier.arrive $0xFFFF  }
0xc4: {  	p0 =	sne.s32 s0, $0x0;
	s0 =	rddreg [dreg:$0x3]  }
0xc5: {  	s0 =	sadd.s32 @!p0 $0x100000, s0  }
0xc6: {  	[sflag:s0] =	ssyncadd.tile.s32 @!p0 $0x1;
	_ =	shalt  }
.Lfunc_end2:
_tile_overlayer_lowered:
.L_overlay_start_2:
0xc7: {  	(tag) =	ssettag $0x2  }
0xc8: {  	s0 =	rddreg [dreg:$0x0];
	s2 =	stileid.u32  }
0xc9: {  	s1 =	rddreg [dreg:$0x1];
	p0 =	sne.s32 s2, $0x0  }
0xca: {  	s3 =	rddreg [dreg:$0x2];
	[bflag:$0x3] =	sbarrier.arrive $0xFFFF;
	s2 =	simm.s32 @!p0 $0x1C0C  }
0xcb: {  	[timem:s3], [sflag:s2] =	dma.local @!p0 [hbm:s0], s1  }
0xcc: {  	s0 =	simm.s32 @!p0 $0xC  }
0xcd: {  	_ =	swait.ge @!p0 [sflag:s0], s1  }
0xce: {  	s1 =	ssub.s32 @!p0 $0x0, s1;
	[sflag:s0] =	ssyncset.done @!p0 $0x0  }
0xcf: {  	[sflag:s0] =	ssyncadd.s32 @!p0 s1  }
0xd0: {  	[bflag:$0x3] =	sbarrier.arrive $0xFFFF  }
0xd1: {  	_ =	shalt  }

</sc_bundles>
